<compile_context>
chip_gen: v7x
topology: tpu7x:2x2x1
jax: 0.10.2.dev20260603
libtpu: 0.0.44.dev20260713+nightly
codegen_flags: <defaults>
</compile_context>

<pallas_src>
import functools

import jax
import jax.numpy as jnp
from jax import lax
from jax.experimental import pallas as pl
from jax.experimental.pallas import tpu as pltpu
from jax.experimental.pallas import tpu_sc as plsc

N_NODES_C = 10000
N_PAD = 10240
N_EDGES_C = 320000
D_C = 128
DH = 64
CHUNK = 80
ROWS_PER_TILE = N_PAD // 16
EDGES_PER_TILE = N_EDGES_C // 16
N_CHUNKS = EDGES_PER_TILE // CHUNK
NBUF = 5
LA = NBUF - 1
ZROWS = 128


def _sc_aggregate(x01, src1d, dst2d):
    mesh = plsc.VectorSubcoreMesh(core_axis_name="c", subcore_axis_name="s")

    @functools.partial(
        pl.kernel,
        out_type=(
            jax.ShapeDtypeStruct((2 * N_PAD, DH), jnp.float32),
            jax.ShapeDtypeStruct((2 * N_PAD, 16), jnp.float32),
        ),
        mesh=mesh,
        compiler_params=pltpu.CompilerParams(use_tc_tiling_on_sc=False),
        scratch_types=[
            pltpu.VMEM_SHARED((N_PAD, DH), jnp.float32),
            pltpu.VMEM_SHARED((N_PAD, 16), jnp.float32),
            pltpu.VMEM((ZROWS, DH), jnp.float32),
            pltpu.VMEM((ZROWS, 16), jnp.float32),
            pltpu.VMEM((EDGES_PER_TILE,), jnp.int32),
            pltpu.VMEM((N_CHUNKS, CHUNK), jnp.int32),
            pltpu.VMEM((NBUF, CHUNK, DH), jnp.float32),
            pltpu.VMEM((CHUNK, 16), jnp.float32),
        ] + [pltpu.SemaphoreType.DMA] * (3 * NBUF),
    )
    def agg_kernel(x_hbm, src_hbm, dst_hbm, agg_out, cnt_out,
                   acc_sh, cnt_sh, zbuf, zbufc, gidx, didx, rows, ones_v,
                   *sems):
        cid = lax.axis_index("c")
        sid = lax.axis_index("s")
        r0 = sid * jnp.int32(ROWS_PER_TILE)
        gsems = sems[0:NBUF]
        ssems = sems[NBUF:2 * NBUF]
        csems = sems[2 * NBUF:3 * NBUF]

        trow = sid * jnp.int32(N_CHUNKS)
        pltpu.sync_copy(
            src_hbm.at[pl.ds(sid * jnp.int32(EDGES_PER_TILE),
                             EDGES_PER_TILE)], gidx)
        pltpu.sync_copy(dst_hbm.at[pl.ds(trow, N_CHUNKS)], didx)

        def fix_src(k, carry):
            sl = pl.ds(k * jnp.int32(16), 16)
            gidx[sl] = gidx[sl] * jnp.int32(2) + cid
            return carry

        lax.fori_loop(jnp.int32(0), jnp.int32(EDGES_PER_TILE // 16), fix_src,
                      jnp.int32(0))

        def fill_z(i, carry):
            for j in range(DH // 16):
                zbuf[i, pl.ds(j * 16, 16)] = jnp.zeros((16,), jnp.float32)
            zbufc[i, :] = jnp.zeros((16,), jnp.float32)
            return carry

        lax.fori_loop(jnp.int32(0), jnp.int32(ZROWS), fill_z, jnp.int32(0))

        def fill_ones(i, carry):
            ones_v[i, :] = jnp.ones((16,), jnp.float32)
            return carry

        lax.fori_loop(jnp.int32(0), jnp.int32(CHUNK), fill_ones, jnp.int32(0))

        for z in range(ROWS_PER_TILE // ZROWS):
            zr = r0 + jnp.int32(z * ZROWS)
            pltpu.sync_copy(zbuf, acc_sh.at[pl.ds(zr, ZROWS)])
            pltpu.sync_copy(zbufc, cnt_sh.at[pl.ds(zr, ZROWS)])
        plsc.subcore_barrier()

        def fire_gather(c, b):
            pltpu.async_copy(
                x_hbm.at[gidx.at[pl.ds(c * jnp.int32(CHUNK), CHUNK)]],
                rows.at[jnp.int32(b)], gsems[b])

        def my_cnt(c):
            return lax.rem(c, jnp.int32(2)) == cid

        def step(c, b):
            bl = (b + LA) % NBUF
            bi = jnp.int32(b)
            bli = jnp.int32(bl)

            @pl.when(c + jnp.int32(LA) < jnp.int32(N_CHUNKS))
            def _():
                @pl.when(c >= jnp.int32(1))
                def _():
                    pltpu.make_async_copy(
                        rows.at[bli], acc_sh.at[didx.at[c - jnp.int32(1)]],
                        ssems[bl]).wait()

                    @pl.when(my_cnt(c - jnp.int32(1)))
                    def _():
                        pltpu.make_async_copy(
                            ones_v, cnt_sh.at[didx.at[c - jnp.int32(1)]],
                            csems[bl]).wait()

                fire_gather(c + jnp.int32(LA), bl)

            pltpu.make_async_copy(
                x_hbm.at[gidx.at[pl.ds(c * jnp.int32(CHUNK), CHUNK)]],
                rows.at[bi], gsems[b]).wait()
            pltpu.async_copy(rows.at[bi], acc_sh.at[didx.at[c]], ssems[b],
                             add=True)

            @pl.when(my_cnt(c))
            def _():
                pltpu.async_copy(ones_v, cnt_sh.at[didx.at[c]], csems[b],
                                 add=True)

        for b in range(LA):
            fire_gather(jnp.int32(b), b)

        def quad_body(i, carry):
            cq = i * jnp.int32(NBUF)
            for b in range(NBUF):
                step(cq + jnp.int32(b), b)
            return carry

        lax.fori_loop(jnp.int32(0), jnp.int32(N_CHUNKS // NBUF), quad_body,
                      jnp.int32(0))

        for b in range(NBUF):
            cl = jnp.int32(N_CHUNKS - NBUF + b)
            pltpu.make_async_copy(rows.at[jnp.int32(b)],
                                  acc_sh.at[didx.at[cl]], ssems[b]).wait()

            @pl.when(my_cnt(cl))
            def _():
                pltpu.make_async_copy(ones_v, cnt_sh.at[didx.at[cl]],
                                      csems[b]).wait()

        plsc.subcore_barrier()

        out_r0 = cid * jnp.int32(N_PAD) + r0
        pltpu.sync_copy(acc_sh.at[pl.ds(r0, ROWS_PER_TILE)],
                        agg_out.at[pl.ds(out_r0, ROWS_PER_TILE)])
        pltpu.sync_copy(cnt_sh.at[pl.ds(r0, ROWS_PER_TILE)],
                        cnt_out.at[pl.ds(out_r0, ROWS_PER_TILE)])

    return agg_kernel(x01, src1d, dst2d)


def _tc_body(x_ref, aggf_ref, cntf_ref, wl_ref, wr_ref, b_ref, g_ref,
             be_ref, out_ref):
    agg = jnp.concatenate(
        [aggf_ref[pl.ds(0, N_NODES_C), :],
         aggf_ref[pl.ds(N_PAD, N_NODES_C), :]], axis=1)
    cnt = (cntf_ref[pl.ds(0, N_NODES_C), 0:1]
           + cntf_ref[pl.ds(N_PAD, N_NODES_C), 0:1])
    a = agg / jnp.maximum(cnt, 1.0)
    dims = (((1,), (1,)), ((), ()))
    z = lax.dot_general(a, wl_ref[...], dims,
                        preferred_element_type=jnp.float32)
    z = z + lax.dot_general(x_ref[...], wr_ref[...], dims,
                            preferred_element_type=jnp.float32)
    z = z + b_ref[...]
    nrm = jnp.maximum(jnp.sqrt(jnp.sum(z * z, axis=1, keepdims=True)), 1e-12)
    h = jnp.maximum(z / nrm, 0.0)
    mean = jnp.mean(h, axis=0, keepdims=True)
    var = jnp.mean((h - mean) ** 2, axis=0, keepdims=True)
    out_ref[...] = (h - mean) * lax.rsqrt(var + 1e-5) * g_ref[...] + be_ref[...]


def kernel(x, edge_index, W_l, b_l, W_r, gamma, beta):
    x = x.astype(jnp.float32)
    src1d = edge_index[0].astype(jnp.int32)
    dst2d = edge_index[1].astype(jnp.int32).reshape(-1, CHUNK)
    x01 = x.reshape(2 * N_NODES_C, DH)

    agg_flat, cnt_flat = _sc_aggregate(x01, src1d, dst2d)

    out = pl.pallas_call(
        _tc_body,
        out_shape=jax.ShapeDtypeStruct((N_NODES_C, D_C), jnp.float32),
    )(x, agg_flat, cnt_flat,
      W_l.astype(jnp.float32), W_r.astype(jnp.float32),
      b_l.astype(jnp.float32).reshape(1, D_C),
      gamma.astype(jnp.float32).reshape(1, D_C),
      beta.astype(jnp.float32).reshape(1, D_C))
    return out

# --- scband reference (transcript-rebuilt; emitter-appended) ---
"""Pipeline reference for scband-sage-encoder-24438363914372 (READ-ONLY COPY).

The authoritative reference and input builder live on the scoring server;
editing this copy changes nothing except your own understanding.
"""

import jax, jax.numpy as jnp
import numpy as np
jax.config.update('jax_enable_x64', True)

N_NODES = 10000
N_EDGES = 320000
D_IN = 128
HIDDEN = 128

def _glorot(key, shape):
    fan_out, fan_in = shape
    a = np.sqrt(6.0 / (fan_in + fan_out))
    return jax.random.uniform(key, shape, dtype=jnp.float32, minval=-a, maxval=a)

def setup_inputs(seed: int = 0) -> dict:
    key = jax.random.key(seed)
    k1, k2, k3, k4 = jax.random.split(key, 4)
    x = jax.random.normal(k1, (N_NODES, D_IN), dtype=jnp.float32)
    edge_index = jax.random.randint(k2, (2, N_EDGES), 0, N_NODES, dtype=jnp.int64)
    # SAGEConv params: lin_l (applied to aggregated neighbors, with bias), lin_r (root, no bias)
    W_l = _glorot(k3, (HIDDEN, D_IN))
    b_l = jnp.zeros((HIDDEN,), dtype=jnp.float32)
    W_r = _glorot(k4, (HIDDEN, D_IN))
    # BatchNorm1d affine params
    gamma = jnp.ones((HIDDEN,), dtype=jnp.float32)
    beta = jnp.zeros((HIDDEN,), dtype=jnp.float32)
    return {"x": x, "edge_index": edge_index, "W_l": W_l, "b_l": b_l, "W_r": W_r, "gamma": gamma, "beta": beta}

def reference(x, edge_index, W_l, b_l, W_r, gamma, beta):
    src = edge_index[0]
    dst = edge_index[1]
    # SAGEConv with aggr='mean': mean of neighbor features scattered to dst nodes
    msgs = jnp.take(x, src, axis=0)
    agg_sum = jax.ops.segment_sum(msgs, dst, num_segments=N_NODES)
    cnt = jax.ops.segment_sum(jnp.ones((N_EDGES,), dtype=x.dtype), dst, num_segments=N_NODES)
    agg = agg_sum / jnp.clip(cnt, 1.0, None)[:, None]
    out = agg @ W_l.T + b_l + x @ W_r.T
    # normalize=True -> L2 normalize along feature dim (F.normalize, eps=1e-12)
    nrm = jnp.maximum(jnp.linalg.norm(out, axis=-1, keepdims=True), 1e-12)
    out = out / nrm
    # transition: ReLU -> BatchNorm1d (training-mode batch stats) -> Dropout (identity, eval)
    h = jax.nn.relu(out)
    mean = jnp.mean(h, axis=0)
    var = jnp.var(h, axis=0)  # biased, as PyTorch BN uses for normalization
    h = (h - mean) / jnp.sqrt(var + 1e-5) * gamma + beta
    return h

if __name__ == "__main__":
    import jax
    _d = setup_inputs()
    print(jax.jit(kernel)(*tuple(_d.values())))

</pallas_src>

<mosaic_0001>
#map = affine_map<(d0, d1) -> (0, 0)>
#map1 = affine_map<(d0, d1) -> (0)>
module attributes {stable_mosaic.version = 14 : i64} {
  func.func @agg_kernel(%arg0: i32, %arg1: i32, %arg2: memref<20000x64xf32, #tpu.memory_space<hbm>>, %arg3: memref<320000xi32, #tpu.memory_space<hbm>>, %arg4: memref<4000x80xi32, #tpu.memory_space<hbm>>, %arg5: memref<20480x64xf32, #tpu.memory_space<hbm>>, %arg6: memref<20480x16xf32, #tpu.memory_space<hbm>>, %arg7: memref<10240x64xf32, #tpu.memory_space<vmem_shared>>, %arg8: memref<10240x16xf32, #tpu.memory_space<vmem_shared>>, %arg9: memref<128x64xf32, #tpu.memory_space<vmem>>, %arg10: memref<128x16xf32, #tpu.memory_space<vmem>>, %arg11: memref<20000xi32, #tpu.memory_space<vmem>>, %arg12: memref<250x80xi32, #tpu.memory_space<vmem>>, %arg13: memref<5x80x64xf32, #tpu.memory_space<vmem>>, %arg14: memref<80x16xf32, #tpu.memory_space<vmem>>, %arg15: memref<!tpu.dma_semaphore, #tpu.memory_space<semaphore_mem>>, %arg16: memref<!tpu.dma_semaphore, #tpu.memory_space<semaphore_mem>>, %arg17: memref<!tpu.dma_semaphore, #tpu.memory_space<semaphore_mem>>, %arg18: memref<!tpu.dma_semaphore, #tpu.memory_space<semaphore_mem>>, %arg19: memref<!tpu.dma_semaphore, #tpu.memory_space<semaphore_mem>>, %arg20: memref<!tpu.dma_semaphore, #tpu.memory_space<semaphore_mem>>, %arg21: memref<!tpu.dma_semaphore, #tpu.memory_space<semaphore_mem>>, %arg22: memref<!tpu.dma_semaphore, #tpu.memory_space<semaphore_mem>>, %arg23: memref<!tpu.dma_semaphore, #tpu.memory_space<semaphore_mem>>, %arg24: memref<!tpu.dma_semaphore, #tpu.memory_space<semaphore_mem>>, %arg25: memref<!tpu.dma_semaphore, #tpu.memory_space<semaphore_mem>>, %arg26: memref<!tpu.dma_semaphore, #tpu.memory_space<semaphore_mem>>, %arg27: memref<!tpu.dma_semaphore, #tpu.memory_space<semaphore_mem>>, %arg28: memref<!tpu.dma_semaphore, #tpu.memory_space<semaphore_mem>>, %arg29: memref<!tpu.dma_semaphore, #tpu.memory_space<semaphore_mem>>) attributes {dimension_semantics = [#tpu.dimension_semantics<core_parallel>, #tpu.dimension_semantics<subcore_parallel>], iteration_bounds = array<i64: 2, 16>, scalar_prefetch = 0 : i64, scratch_operands = 23 : i64, tpu.core_type = #tpu.core_type<sc_vector_subcore>, window_params = [{transform_indices = #map}, {transform_indices = #map1}, {transform_indices = #map}, {transform_indices = #map}, {transform_indices = #map}]} {
    %mul3A = arith.constant 640 : i32
    %mul3A_0 = arith.muli %arg1, %mul3A : i32
    %mul3A_1 = arith.constant 250 : i32
    %mul3A_2 = arith.muli %arg1, %mul3A_1 : i32
    %mul3A_3 = arith.constant 20000 : i32
    %mul3A_4 = arith.muli %arg1, %mul3A_3 : i32
    "tpu.region"() ({
      %run_scoped3A = tpu.sem_alloc : memref<!tpu.dma_semaphore, #tpu.memory_space<semaphore_mem>>
      %dma_start3A_203 = tpu.memref_slice %arg3[%mul3A_4] : memref<320000xi32, #tpu.memory_space<hbm>> -> memref<20000xi32, #tpu.memory_space<hbm>>
      %dma_start3A_204 = tpu.memref_slice %arg3[%mul3A_4] : memref<320000xi32, #tpu.memory_space<hbm>> -> memref<20000xi32, #tpu.memory_space<hbm>>
      tpu.enqueue_dma source(%dma_start3A_204 : memref<20000xi32, #tpu.memory_space<hbm>>) target(%arg11 : memref<20000xi32, #tpu.memory_space<vmem>>) target_semaphore(%run_scoped3A : memref<!tpu.dma_semaphore, #tpu.memory_space<semaphore_mem>>)
      %dma_wait3A_205 = tpu.memref_slice %arg3[%mul3A_4] : memref<320000xi32, #tpu.memory_space<hbm>> -> memref<20000xi32, #tpu.memory_space<hbm>>
      %dma_wait3A_206 = tpu.memref_slice %arg3[%mul3A_4] : memref<320000xi32, #tpu.memory_space<hbm>> -> memref<20000xi32, #tpu.memory_space<hbm>>
      tpu.wait_dma2 semaphore(%run_scoped3A : memref<!tpu.dma_semaphore, #tpu.memory_space<semaphore_mem>>) src(%dma_wait3A_206 : memref<20000xi32, #tpu.memory_space<hbm>>) dst(%arg11 : memref<20000xi32, #tpu.memory_space<vmem>>)
      tpu.yield
    }) : () -> ()
    "tpu.region"() ({
      %run_scoped3A = tpu.sem_alloc : memref<!tpu.dma_semaphore, #tpu.memory_space<semaphore_mem>>
      %dma_start3A_203 = arith.constant 0 : i32
      %dma_start3A_204 = tpu.memref_slice %arg4[%mul3A_2, %dma_start3A_203] : memref<4000x80xi32, #tpu.memory_space<hbm>> -> memref<250x80xi32, #tpu.memory_space<hbm>>
      %dma_start3A_205 = arith.constant 0 : i32
      %dma_start3A_206 = tpu.memref_slice %arg4[%mul3A_2, %dma_start3A_205] : memref<4000x80xi32, #tpu.memory_space<hbm>> -> memref<250x80xi32, #tpu.memory_space<hbm>>
      tpu.enqueue_dma source(%dma_start3A_206 : memref<250x80xi32, #tpu.memory_space<hbm>>) target(%arg12 : memref<250x80xi32, #tpu.memory_space<vmem>>) target_semaphore(%run_scoped3A : memref<!tpu.dma_semaphore, #tpu.memory_space<semaphore_mem>>)
      %dma_wait3A_207 = arith.constant 0 : i32
      %dma_wait3A_208 = tpu.memref_slice %arg4[%mul3A_2, %dma_wait3A_207] : memref<4000x80xi32, #tpu.memory_space<hbm>> -> memref<250x80xi32, #tpu.memory_space<hbm>>
      %dma_wait3A_209 = arith.constant 0 : i32
      %dma_wait3A_210 = tpu.memref_slice %arg4[%mul3A_2, %dma_wait3A_209] : memref<4000x80xi32, #tpu.memory_space<hbm>> -> memref<250x80xi32, #tpu.memory_space<hbm>>
      tpu.wait_dma2 semaphore(%run_scoped3A : memref<!tpu.dma_semaphore, #tpu.memory_space<semaphore_mem>>) src(%dma_wait3A_210 : memref<250x80xi32, #tpu.memory_space<hbm>>) dst(%arg12 : memref<250x80xi32, #tpu.memory_space<vmem>>)
      tpu.yield
    }) : () -> ()
    %while3A = arith.constant 0 : i32
    %while3A_5 = arith.constant 0 : i32
    %while3A_6 = arith.constant 1250 : i32
    %while3A_7 = arith.subi %while3A_6, %while3A_5 : i32
    %while3A_8 = arith.addi %while3A_5, %while3A_7 : i32
    %while3A_9 = arith.constant 1 : i32
    %while3A_10 = arith.divsi %while3A_7, %while3A_9 : i32
    %while3A_11 = arith.muli %while3A_10, %while3A_9 : i32
    %while3A_12 = arith.addi %while3A_5, %while3A_11 : i32
    %while3A_13 = arith.constant 1 : i32
    scf.for %while3A_203 = %while3A_5 to %while3A_12 step %while3A_13  : i32 {
      %mul3A_204 = arith.constant 16 : i32
      %mul3A_205 = arith.muli %while3A_203, %mul3A_204 : i32
      %get3A = arith.index_cast %mul3A_205 : i32 to index
      %get3A_206 = tpu.vector_load %arg11[%get3A] {strides = array<i32>} : memref<20000xi32, #tpu.memory_space<vmem>>, vector<16xi32>,
      %get3A_207 = vector.shape_cast %get3A_206 : vector<16xi32> to vector<16xi32>
      %mul3A_208 = arith.constant 2 : i32
      %mul3A_209 = vector.broadcast %mul3A_208 : i32 to vector<16xi32>
      %mul3A_210 = arith.muli %get3A_207, %mul3A_209 : vector<16xi32>
      %add3A_211 = vector.broadcast %arg0 : i32 to vector<16xi32>
      %add3A_212 = arith.addi %mul3A_210, %add3A_211 : vector<16xi32>
      %swap3A = arith.index_cast %mul3A_205 : i32 to index
      %swap3A_213 = tpu.vector_load %arg11[%swap3A] {strides = array<i32>} : memref<20000xi32, #tpu.memory_space<vmem>>, vector<16xi32>,
      %swap3A_214 = vector.shape_cast %swap3A_213 : vector<16xi32> to vector<16xi32>
      %swap3A_215 = vector.shape_cast %add3A_212 : vector<16xi32> to vector<16xi32>
      tpu.vector_store %arg11[%swap3A], %swap3A_215 {strides = array<i32>} : memref<20000xi32, #tpu.memory_space<vmem>>, vector<16xi32>,
    }
    %while3A_14 = arith.constant 1 : i32
    scf.for %while3A_203 = %while3A_12 to %while3A_8 step %while3A_14  : i32 {
      %mul3A_204 = arith.constant 16 : i32
      %mul3A_205 = arith.muli %while3A_203, %mul3A_204 : i32
      %get3A = arith.index_cast %mul3A_205 : i32 to index
      %get3A_206 = tpu.vector_load %arg11[%get3A] {strides = array<i32>} : memref<20000xi32, #tpu.memory_space<vmem>>, vector<16xi32>,
      %get3A_207 = vector.shape_cast %get3A_206 : vector<16xi32> to vector<16xi32>
      %mul3A_208 = arith.constant 2 : i32
      %mul3A_209 = vector.broadcast %mul3A_208 : i32 to vector<16xi32>
      %mul3A_210 = arith.muli %get3A_207, %mul3A_209 : vector<16xi32>
      %add3A_211 = vector.broadcast %arg0 : i32 to vector<16xi32>
      %add3A_212 = arith.addi %mul3A_210, %add3A_211 : vector<16xi32>
      %swap3A = arith.index_cast %mul3A_205 : i32 to index
      %swap3A_213 = tpu.vector_load %arg11[%swap3A] {strides = array<i32>} : memref<20000xi32, #tpu.memory_space<vmem>>, vector<16xi32>,
      %swap3A_214 = vector.shape_cast %swap3A_213 : vector<16xi32> to vector<16xi32>
      %swap3A_215 = vector.shape_cast %add3A_212 : vector<16xi32> to vector<16xi32>
      tpu.vector_store %arg11[%swap3A], %swap3A_215 {strides = array<i32>} : memref<20000xi32, #tpu.memory_space<vmem>>, vector<16xi32>,
    }
    %while3A_15 = arith.constant 0 : i32
    %while3A_16 = arith.constant 0 : i32
    %while3A_17 = arith.constant 128 : i32
    %while3A_18 = arith.subi %while3A_17, %while3A_16 : i32
    %while3A_19 = arith.addi %while3A_16, %while3A_18 : i32
    %while3A_20 = arith.constant 1 : i32
    %while3A_21 = arith.divsi %while3A_18, %while3A_20 : i32
    %while3A_22 = arith.muli %while3A_21, %while3A_20 : i32
    %while3A_23 = arith.addi %while3A_16, %while3A_22 : i32
    %while3A_24 = arith.constant 1 : i32
    scf.for %while3A_203 = %while3A_16 to %while3A_23 step %while3A_24  : i32 {
      %broadcast_in_dim3A = arith.constant 0.000000e+00 : f32
      %broadcast_in_dim3A_204 = vector.broadcast %broadcast_in_dim3A : f32 to vector<16xf32>
      %swap3A = arith.index_cast %while3A_203 : i32 to index
      %swap3A_205 = arith.constant 0 : index
      %swap3A_206 = tpu.vector_load %arg9[%swap3A, %swap3A_205] {strides = array<i32>} : memref<128x64xf32, #tpu.memory_space<vmem>>, vector<1x16xf32>,
      %swap3A_207 = vector.shape_cast %swap3A_206 : vector<1x16xf32> to vector<16xf32>
      %swap3A_208 = vector.shape_cast %broadcast_in_dim3A_204 : vector<16xf32> to vector<1x16xf32>
      tpu.vector_store %arg9[%swap3A, %swap3A_205], %swap3A_208 {strides = array<i32>} : memref<128x64xf32, #tpu.memory_space<vmem>>, vector<1x16xf32>,
      %broadcast_in_dim3A_209 = arith.constant 0.000000e+00 : f32
      %broadcast_in_dim3A_210 = vector.broadcast %broadcast_in_dim3A_209 : f32 to vector<16xf32>
      %swap3A_211 = arith.index_cast %while3A_203 : i32 to index
      %swap3A_212 = arith.constant 16 : index
      %swap3A_213 = tpu.vector_load %arg9[%swap3A_211, %swap3A_212] {strides = array<i32>} : memref<128x64xf32, #tpu.memory_space<vmem>>, vector<1x16xf32>,
      %swap3A_214 = vector.shape_cast %swap3A_213 : vector<1x16xf32> to vector<16xf32>
      %swap3A_215 = vector.shape_cast %broadcast_in_dim3A_210 : vector<16xf32> to vector<1x16xf32>
      tpu.vector_store %arg9[%swap3A_211, %swap3A_212], %swap3A_215 {strides = array<i32>} : memref<128x64xf32, #tpu.memory_space<vmem>>, vector<1x16xf32>,
      %broadcast_in_dim3A_216 = arith.constant 0.000000e+00 : f32
      %broadcast_in_dim3A_217 = vector.broadcast %broadcast_in_dim3A_216 : f32 to vector<16xf32>
      %swap3A_218 = arith.index_cast %while3A_203 : i32 to index
      %swap3A_219 = arith.constant 32 : index
      %swap3A_220 = tpu.vector_load %arg9[%swap3A_218, %swap3A_219] {strides = array<i32>} : memref<128x64xf32, #tpu.memory_space<vmem>>, vector<1x16xf32>,
      %swap3A_221 = vector.shape_cast %swap3A_220 : vector<1x16xf32> to vector<16xf32>
      %swap3A_222 = vector.shape_cast %broadcast_in_dim3A_217 : vector<16xf32> to vector<1x16xf32>
      tpu.vector_store %arg9[%swap3A_218, %swap3A_219], %swap3A_222 {strides = array<i32>} : memref<128x64xf32, #tpu.memory_space<vmem>>, vector<1x16xf32>,
      %broadcast_in_dim3A_223 = arith.constant 0.000000e+00 : f32
      %broadcast_in_dim3A_224 = vector.broadcast %broadcast_in_dim3A_223 : f32 to vector<16xf32>
      %swap3A_225 = arith.index_cast %while3A_203 : i32 to index
      %swap3A_226 = arith.constant 48 : index
      %swap3A_227 = tpu.vector_load %arg9[%swap3A_225, %swap3A_226] {strides = array<i32>} : memref<128x64xf32, #tpu.memory_space<vmem>>, vector<1x16xf32>,
      %swap3A_228 = vector.shape_cast %swap3A_227 : vector<1x16xf32> to vector<16xf32>
      %swap3A_229 = vector.shape_cast %broadcast_in_dim3A_224 : vector<16xf32> to vector<1x16xf32>
      tpu.vector_store %arg9[%swap3A_225, %swap3A_226], %swap3A_229 {strides = array<i32>} : memref<128x64xf32, #tpu.memory_space<vmem>>, vector<1x16xf32>,
      %broadcast_in_dim3A_230 = arith.constant 0.000000e+00 : f32
      %broadcast_in_dim3A_231 = vector.broadcast %broadcast_in_dim3A_230 : f32 to vector<16xf32>
      %swap3A_232 = arith.index_cast %while3A_203 : i32 to index
      %swap3A_233 = arith.constant 0 : index
      %swap3A_234 = tpu.vector_load %arg10[%swap3A_232, %swap3A_233] {strides = array<i32>} : memref<128x16xf32, #tpu.memory_space<vmem>>, vector<1x16xf32>,
      %swap3A_235 = vector.shape_cast %swap3A_234 : vector<1x16xf32> to vector<16xf32>
      %swap3A_236 = vector.shape_cast %broadcast_in_dim3A_231 : vector<16xf32> to vector<1x16xf32>
      tpu.vector_store %arg10[%swap3A_232, %swap3A_233], %swap3A_236 {strides = array<i32>} : memref<128x16xf32, #tpu.memory_space<vmem>>, vector<1x16xf32>,
    }
    %while3A_25 = arith.constant 1 : i32
    scf.for %while3A_203 = %while3A_23 to %while3A_19 step %while3A_25  : i32 {
      %broadcast_in_dim3A = arith.constant 0.000000e+00 : f32
      %broadcast_in_dim3A_204 = vector.broadcast %broadcast_in_dim3A : f32 to vector<16xf32>
      %swap3A = arith.index_cast %while3A_203 : i32 to index
      %swap3A_205 = arith.constant 0 : index
      %swap3A_206 = tpu.vector_load %arg9[%swap3A, %swap3A_205] {strides = array<i32>} : memref<128x64xf32, #tpu.memory_space<vmem>>, vector<1x16xf32>,
      %swap3A_207 = vector.shape_cast %swap3A_206 : vector<1x16xf32> to vector<16xf32>
      %swap3A_208 = vector.shape_cast %broadcast_in_dim3A_204 : vector<16xf32> to vector<1x16xf32>
      tpu.vector_store %arg9[%swap3A, %swap3A_205], %swap3A_208 {strides = array<i32>} : memref<128x64xf32, #tpu.memory_space<vmem>>, vector<1x16xf32>,
      %broadcast_in_dim3A_209 = arith.constant 0.000000e+00 : f32
      %broadcast_in_dim3A_210 = vector.broadcast %broadcast_in_dim3A_209 : f32 to vector<16xf32>
      %swap3A_211 = arith.index_cast %while3A_203 : i32 to index
      %swap3A_212 = arith.constant 16 : index
      %swap3A_213 = tpu.vector_load %arg9[%swap3A_211, %swap3A_212] {strides = array<i32>} : memref<128x64xf32, #tpu.memory_space<vmem>>, vector<1x16xf32>,
      %swap3A_214 = vector.shape_cast %swap3A_213 : vector<1x16xf32> to vector<16xf32>
      %swap3A_215 = vector.shape_cast %broadcast_in_dim3A_210 : vector<16xf32> to vector<1x16xf32>
      tpu.vector_store %arg9[%swap3A_211, %swap3A_212], %swap3A_215 {strides = array<i32>} : memref<128x64xf32, #tpu.memory_space<vmem>>, vector<1x16xf32>,
      %broadcast_in_dim3A_216 = arith.constant 0.000000e+00 : f32
      %broadcast_in_dim3A_217 = vector.broadcast %broadcast_in_dim3A_216 : f32 to vector<16xf32>
      %swap3A_218 = arith.index_cast %while3A_203 : i32 to index
      %swap3A_219 = arith.constant 32 : index
      %swap3A_220 = tpu.vector_load %arg9[%swap3A_218, %swap3A_219] {strides = array<i32>} : memref<128x64xf32, #tpu.memory_space<vmem>>, vector<1x16xf32>,
      %swap3A_221 = vector.shape_cast %swap3A_220 : vector<1x16xf32> to vector<16xf32>
      %swap3A_222 = vector.shape_cast %broadcast_in_dim3A_217 : vector<16xf32> to vector<1x16xf32>
      tpu.vector_store %arg9[%swap3A_218, %swap3A_219], %swap3A_222 {strides = array<i32>} : memref<128x64xf32, #tpu.memory_space<vmem>>, vector<1x16xf32>,
      %broadcast_in_dim3A_223 = arith.constant 0.000000e+00 : f32
      %broadcast_in_dim3A_224 = vector.broadcast %broadcast_in_dim3A_223 : f32 to vector<16xf32>
      %swap3A_225 = arith.index_cast %while3A_203 : i32 to index
      %swap3A_226 = arith.constant 48 : index
      %swap3A_227 = tpu.vector_load %arg9[%swap3A_225, %swap3A_226] {strides = array<i32>} : memref<128x64xf32, #tpu.memory_space<vmem>>, vector<1x16xf32>,
      %swap3A_228 = vector.shape_cast %swap3A_227 : vector<1x16xf32> to vector<16xf32>
      %swap3A_229 = vector.shape_cast %broadcast_in_dim3A_224 : vector<16xf32> to vector<1x16xf32>
      tpu.vector_store %arg9[%swap3A_225, %swap3A_226], %swap3A_229 {strides = array<i32>} : memref<128x64xf32, #tpu.memory_space<vmem>>, vector<1x16xf32>,
      %broadcast_in_dim3A_230 = arith.constant 0.000000e+00 : f32
      %broadcast_in_dim3A_231 = vector.broadcast %broadcast_in_dim3A_230 : f32 to vector<16xf32>
      %swap3A_232 = arith.index_cast %while3A_203 : i32 to index
      %swap3A_233 = arith.constant 0 : index
      %swap3A_234 = tpu.vector_load %arg10[%swap3A_232, %swap3A_233] {strides = array<i32>} : memref<128x16xf32, #tpu.memory_space<vmem>>, vector<1x16xf32>,
      %swap3A_235 = vector.shape_cast %swap3A_234 : vector<1x16xf32> to vector<16xf32>
      %swap3A_236 = vector.shape_cast %broadcast_in_dim3A_231 : vector<16xf32> to vector<1x16xf32>
      tpu.vector_store %arg10[%swap3A_232, %swap3A_233], %swap3A_236 {strides = array<i32>} : memref<128x16xf32, #tpu.memory_space<vmem>>, vector<1x16xf32>,
    }
    %while3A_26 = arith.constant 0 : i32
    %while3A_27 = arith.constant 0 : i32
    %while3A_28 = arith.constant 80 : i32
    %while3A_29 = arith.subi %while3A_28, %while3A_27 : i32
    %while3A_30 = arith.addi %while3A_27, %while3A_29 : i32
    %while3A_31 = arith.constant 1 : i32
    %while3A_32 = arith.divsi %while3A_29, %while3A_31 : i32
    %while3A_33 = arith.muli %while3A_32, %while3A_31 : i32
    %while3A_34 = arith.addi %while3A_27, %while3A_33 : i32
    %while3A_35 = arith.constant 1 : i32
    scf.for %while3A_203 = %while3A_27 to %while3A_34 step %while3A_35  : i32 {
      %broadcast_in_dim3A = arith.constant 1.000000e+00 : f32
      %broadcast_in_dim3A_204 = vector.broadcast %broadcast_in_dim3A : f32 to vector<16xf32>
      %swap3A = arith.index_cast %while3A_203 : i32 to index
      %swap3A_205 = arith.constant 0 : index
      %swap3A_206 = tpu.vector_load %arg14[%swap3A, %swap3A_205] {strides = array<i32>} : memref<80x16xf32, #tpu.memory_space<vmem>>, vector<1x16xf32>,
      %swap3A_207 = vector.shape_cast %swap3A_206 : vector<1x16xf32> to vector<16xf32>
      %swap3A_208 = vector.shape_cast %broadcast_in_dim3A_204 : vector<16xf32> to vector<1x16xf32>
      tpu.vector_store %arg14[%swap3A, %swap3A_205], %swap3A_208 {strides = array<i32>} : memref<80x16xf32, #tpu.memory_space<vmem>>, vector<1x16xf32>,
    }
    %while3A_36 = arith.constant 1 : i32
    scf.for %while3A_203 = %while3A_34 to %while3A_30 step %while3A_36  : i32 {
      %broadcast_in_dim3A = arith.constant 1.000000e+00 : f32
      %broadcast_in_dim3A_204 = vector.broadcast %broadcast_in_dim3A : f32 to vector<16xf32>
      %swap3A = arith.index_cast %while3A_203 : i32 to index
      %swap3A_205 = arith.constant 0 : index
      %swap3A_206 = tpu.vector_load %arg14[%swap3A, %swap3A_205] {strides = array<i32>} : memref<80x16xf32, #tpu.memory_space<vmem>>, vector<1x16xf32>,
      %swap3A_207 = vector.shape_cast %swap3A_206 : vector<1x16xf32> to vector<16xf32>
      %swap3A_208 = vector.shape_cast %broadcast_in_dim3A_204 : vector<16xf32> to vector<1x16xf32>
      tpu.vector_store %arg14[%swap3A, %swap3A_205], %swap3A_208 {strides = array<i32>} : memref<80x16xf32, #tpu.memory_space<vmem>>, vector<1x16xf32>,
    }
    %add3A = arith.constant 0 : i32
    %add3A_37 = arith.addi %mul3A_0, %add3A : i32
    "tpu.region"() ({
      %run_scoped3A = tpu.sem_alloc : memref<!tpu.dma_semaphore, #tpu.memory_space<semaphore_mem>>
      %dma_start3A_203 = arith.constant 0 : i32
      %dma_start3A_204 = tpu.memref_slice %arg7[%add3A_37, %dma_start3A_203] : memref<10240x64xf32, #tpu.memory_space<vmem_shared>> -> memref<128x64xf32, #tpu.memory_space<vmem_shared>>
      %dma_start3A_205 = arith.constant 0 : i32
      %dma_start3A_206 = tpu.memref_slice %arg7[%add3A_37, %dma_start3A_205] : memref<10240x64xf32, #tpu.memory_space<vmem_shared>> -> memref<128x64xf32, #tpu.memory_space<vmem_shared>>
      tpu.enqueue_dma source(%arg9 : memref<128x64xf32, #tpu.memory_space<vmem>>) target(%dma_start3A_206 : memref<128x64xf32, #tpu.memory_space<vmem_shared>>) target_semaphore(%run_scoped3A : memref<!tpu.dma_semaphore, #tpu.memory_space<semaphore_mem>>)
      %dma_wait3A_207 = arith.constant 0 : i32
      %dma_wait3A_208 = tpu.memref_slice %arg7[%add3A_37, %dma_wait3A_207] : memref<10240x64xf32, #tpu.memory_space<vmem_shared>> -> memref<128x64xf32, #tpu.memory_space<vmem_shared>>
      %dma_wait3A_209 = arith.constant 0 : i32
      %dma_wait3A_210 = tpu.memref_slice %arg7[%add3A_37, %dma_wait3A_209] : memref<10240x64xf32, #tpu.memory_space<vmem_shared>> -> memref<128x64xf32, #tpu.memory_space<vmem_shared>>
      tpu.wait_dma2 semaphore(%run_scoped3A : memref<!tpu.dma_semaphore, #tpu.memory_space<semaphore_mem>>) src(%arg9 : memref<128x64xf32, #tpu.memory_space<vmem>>) dst(%dma_wait3A_210 : memref<128x64xf32, #tpu.memory_space<vmem_shared>>)
      tpu.yield
    }) : () -> ()
    "tpu.region"() ({
      %run_scoped3A = tpu.sem_alloc : memref<!tpu.dma_semaphore, #tpu.memory_space<semaphore_mem>>
      %dma_start3A_203 = arith.constant 0 : i32
      %dma_start3A_204 = tpu.memref_slice %arg8[%add3A_37, %dma_start3A_203] : memref<10240x16xf32, #tpu.memory_space<vmem_shared>> -> memref<128x16xf32, #tpu.memory_space<vmem_shared>>
      %dma_start3A_205 = arith.constant 0 : i32
      %dma_start3A_206 = tpu.memref_slice %arg8[%add3A_37, %dma_start3A_205] : memref<10240x16xf32, #tpu.memory_space<vmem_shared>> -> memref<128x16xf32, #tpu.memory_space<vmem_shared>>
      tpu.enqueue_dma source(%arg10 : memref<128x16xf32, #tpu.memory_space<vmem>>) target(%dma_start3A_206 : memref<128x16xf32, #tpu.memory_space<vmem_shared>>) target_semaphore(%run_scoped3A : memref<!tpu.dma_semaphore, #tpu.memory_space<semaphore_mem>>)
      %dma_wait3A_207 = arith.constant 0 : i32
      %dma_wait3A_208 = tpu.memref_slice %arg8[%add3A_37, %dma_wait3A_207] : memref<10240x16xf32, #tpu.memory_space<vmem_shared>> -> memref<128x16xf32, #tpu.memory_space<vmem_shared>>
      %dma_wait3A_209 = arith.constant 0 : i32
      %dma_wait3A_210 = tpu.memref_slice %arg8[%add3A_37, %dma_wait3A_209] : memref<10240x16xf32, #tpu.memory_space<vmem_shared>> -> memref<128x16xf32, #tpu.memory_space<vmem_shared>>
      tpu.wait_dma2 semaphore(%run_scoped3A : memref<!tpu.dma_semaphore, #tpu.memory_space<semaphore_mem>>) src(%arg10 : memref<128x16xf32, #tpu.memory_space<vmem>>) dst(%dma_wait3A_210 : memref<128x16xf32, #tpu.memory_space<vmem_shared>>)
      tpu.yield
    }) : () -> ()
    %add3A_38 = arith.constant 128 : i32
    %add3A_39 = arith.addi %mul3A_0, %add3A_38 : i32
    "tpu.region"() ({
      %run_scoped3A = tpu.sem_alloc : memref<!tpu.dma_semaphore, #tpu.memory_space<semaphore_mem>>
      %dma_start3A_203 = arith.constant 0 : i32
      %dma_start3A_204 = tpu.memref_slice %arg7[%add3A_39, %dma_start3A_203] : memref<10240x64xf32, #tpu.memory_space<vmem_shared>> -> memref<128x64xf32, #tpu.memory_space<vmem_shared>>
      %dma_start3A_205 = arith.constant 0 : i32
      %dma_start3A_206 = tpu.memref_slice %arg7[%add3A_39, %dma_start3A_205] : memref<10240x64xf32, #tpu.memory_space<vmem_shared>> -> memref<128x64xf32, #tpu.memory_space<vmem_shared>>
      tpu.enqueue_dma source(%arg9 : memref<128x64xf32, #tpu.memory_space<vmem>>) target(%dma_start3A_206 : memref<128x64xf32, #tpu.memory_space<vmem_shared>>) target_semaphore(%run_scoped3A : memref<!tpu.dma_semaphore, #tpu.memory_space<semaphore_mem>>)
      %dma_wait3A_207 = arith.constant 0 : i32
      %dma_wait3A_208 = tpu.memref_slice %arg7[%add3A_39, %dma_wait3A_207] : memref<10240x64xf32, #tpu.memory_space<vmem_shared>> -> memref<128x64xf32, #tpu.memory_space<vmem_shared>>
      %dma_wait3A_209 = arith.constant 0 : i32
      %dma_wait3A_210 = tpu.memref_slice %arg7[%add3A_39, %dma_wait3A_209] : memref<10240x64xf32, #tpu.memory_space<vmem_shared>> -> memref<128x64xf32, #tpu.memory_space<vmem_shared>>
      tpu.wait_dma2 semaphore(%run_scoped3A : memref<!tpu.dma_semaphore, #tpu.memory_space<semaphore_mem>>) src(%arg9 : memref<128x64xf32, #tpu.memory_space<vmem>>) dst(%dma_wait3A_210 : memref<128x64xf32, #tpu.memory_space<vmem_shared>>)
      tpu.yield
    }) : () -> ()
    "tpu.region"() ({
      %run_scoped3A = tpu.sem_alloc : memref<!tpu.dma_semaphore, #tpu.memory_space<semaphore_mem>>
      %dma_start3A_203 = arith.constant 0 : i32
      %dma_start3A_204 = tpu.memref_slice %arg8[%add3A_39, %dma_start3A_203] : memref<10240x16xf32, #tpu.memory_space<vmem_shared>> -> memref<128x16xf32, #tpu.memory_space<vmem_shared>>
      %dma_start3A_205 = arith.constant 0 : i32
      %dma_start3A_206 = tpu.memref_slice %arg8[%add3A_39, %dma_start3A_205] : memref<10240x16xf32, #tpu.memory_space<vmem_shared>> -> memref<128x16xf32, #tpu.memory_space<vmem_shared>>
      tpu.enqueue_dma source(%arg10 : memref<128x16xf32, #tpu.memory_space<vmem>>) target(%dma_start3A_206 : memref<128x16xf32, #tpu.memory_space<vmem_shared>>) target_semaphore(%run_scoped3A : memref<!tpu.dma_semaphore, #tpu.memory_space<semaphore_mem>>)
      %dma_wait3A_207 = arith.constant 0 : i32
      %dma_wait3A_208 = tpu.memref_slice %arg8[%add3A_39, %dma_wait3A_207] : memref<10240x16xf32, #tpu.memory_space<vmem_shared>> -> memref<128x16xf32, #tpu.memory_space<vmem_shared>>
      %dma_wait3A_209 = arith.constant 0 : i32
      %dma_wait3A_210 = tpu.memref_slice %arg8[%add3A_39, %dma_wait3A_209] : memref<10240x16xf32, #tpu.memory_space<vmem_shared>> -> memref<128x16xf32, #tpu.memory_space<vmem_shared>>
      tpu.wait_dma2 semaphore(%run_scoped3A : memref<!tpu.dma_semaphore, #tpu.memory_space<semaphore_mem>>) src(%arg10 : memref<128x16xf32, #tpu.memory_space<vmem>>) dst(%dma_wait3A_210 : memref<128x16xf32, #tpu.memory_space<vmem_shared>>)
      tpu.yield
    }) : () -> ()
    %add3A_40 = arith.constant 256 : i32
    %add3A_41 = arith.addi %mul3A_0, %add3A_40 : i32
    "tpu.region"() ({
      %run_scoped3A = tpu.sem_alloc : memref<!tpu.dma_semaphore, #tpu.memory_space<semaphore_mem>>
      %dma_start3A_203 = arith.constant 0 : i32
      %dma_start3A_204 = tpu.memref_slice %arg7[%add3A_41, %dma_start3A_203] : memref<10240x64xf32, #tpu.memory_space<vmem_shared>> -> memref<128x64xf32, #tpu.memory_space<vmem_shared>>
      %dma_start3A_205 = arith.constant 0 : i32
      %dma_start3A_206 = tpu.memref_slice %arg7[%add3A_41, %dma_start3A_205] : memref<10240x64xf32, #tpu.memory_space<vmem_shared>> -> memref<128x64xf32, #tpu.memory_space<vmem_shared>>
      tpu.enqueue_dma source(%arg9 : memref<128x64xf32, #tpu.memory_space<vmem>>) target(%dma_start3A_206 : memref<128x64xf32, #tpu.memory_space<vmem_shared>>) target_semaphore(%run_scoped3A : memref<!tpu.dma_semaphore, #tpu.memory_space<semaphore_mem>>)
      %dma_wait3A_207 = arith.constant 0 : i32
      %dma_wait3A_208 = tpu.memref_slice %arg7[%add3A_41, %dma_wait3A_207] : memref<10240x64xf32, #tpu.memory_space<vmem_shared>> -> memref<128x64xf32, #tpu.memory_space<vmem_shared>>
      %dma_wait3A_209 = arith.constant 0 : i32
      %dma_wait3A_210 = tpu.memref_slice %arg7[%add3A_41, %dma_wait3A_209] : memref<10240x64xf32, #tpu.memory_space<vmem_shared>> -> memref<128x64xf32, #tpu.memory_space<vmem_shared>>
      tpu.wait_dma2 semaphore(%run_scoped3A : memref<!tpu.dma_semaphore, #tpu.memory_space<semaphore_mem>>) src(%arg9 : memref<128x64xf32, #tpu.memory_space<vmem>>) dst(%dma_wait3A_210 : memref<128x64xf32, #tpu.memory_space<vmem_shared>>)
      tpu.yield
    }) : () -> ()
    "tpu.region"() ({
      %run_scoped3A = tpu.sem_alloc : memref<!tpu.dma_semaphore, #tpu.memory_space<semaphore_mem>>
      %dma_start3A_203 = arith.constant 0 : i32
      %dma_start3A_204 = tpu.memref_slice %arg8[%add3A_41, %dma_start3A_203] : memref<10240x16xf32, #tpu.memory_space<vmem_shared>> -> memref<128x16xf32, #tpu.memory_space<vmem_shared>>
      %dma_start3A_205 = arith.constant 0 : i32
      %dma_start3A_206 = tpu.memref_slice %arg8[%add3A_41, %dma_start3A_205] : memref<10240x16xf32, #tpu.memory_space<vmem_shared>> -> memref<128x16xf32, #tpu.memory_space<vmem_shared>>
      tpu.enqueue_dma source(%arg10 : memref<128x16xf32, #tpu.memory_space<vmem>>) target(%dma_start3A_206 : memref<128x16xf32, #tpu.memory_space<vmem_shared>>) target_semaphore(%run_scoped3A : memref<!tpu.dma_semaphore, #tpu.memory_space<semaphore_mem>>)
      %dma_wait3A_207 = arith.constant 0 : i32
      %dma_wait3A_208 = tpu.memref_slice %arg8[%add3A_41, %dma_wait3A_207] : memref<10240x16xf32, #tpu.memory_space<vmem_shared>> -> memref<128x16xf32, #tpu.memory_space<vmem_shared>>
      %dma_wait3A_209 = arith.constant 0 : i32
      %dma_wait3A_210 = tpu.memref_slice %arg8[%add3A_41, %dma_wait3A_209] : memref<10240x16xf32, #tpu.memory_space<vmem_shared>> -> memref<128x16xf32, #tpu.memory_space<vmem_shared>>
      tpu.wait_dma2 semaphore(%run_scoped3A : memref<!tpu.dma_semaphore, #tpu.memory_space<semaphore_mem>>) src(%arg10 : memref<128x16xf32, #tpu.memory_space<vmem>>) dst(%dma_wait3A_210 : memref<128x16xf32, #tpu.memory_space<vmem_shared>>)
      tpu.yield
    }) : () -> ()
    %add3A_42 = arith.constant 384 : i32
    %add3A_43 = arith.addi %mul3A_0, %add3A_42 : i32
    "tpu.region"() ({
      %run_scoped3A = tpu.sem_alloc : memref<!tpu.dma_semaphore, #tpu.memory_space<semaphore_mem>>
      %dma_start3A_203 = arith.constant 0 : i32
      %dma_start3A_204 = tpu.memref_slice %arg7[%add3A_43, %dma_start3A_203] : memref<10240x64xf32, #tpu.memory_space<vmem_shared>> -> memref<128x64xf32, #tpu.memory_space<vmem_shared>>
      %dma_start3A_205 = arith.constant 0 : i32
      %dma_start3A_206 = tpu.memref_slice %arg7[%add3A_43, %dma_start3A_205] : memref<10240x64xf32, #tpu.memory_space<vmem_shared>> -> memref<128x64xf32, #tpu.memory_space<vmem_shared>>
      tpu.enqueue_dma source(%arg9 : memref<128x64xf32, #tpu.memory_space<vmem>>) target(%dma_start3A_206 : memref<128x64xf32, #tpu.memory_space<vmem_shared>>) target_semaphore(%run_scoped3A : memref<!tpu.dma_semaphore, #tpu.memory_space<semaphore_mem>>)
      %dma_wait3A_207 = arith.constant 0 : i32
      %dma_wait3A_208 = tpu.memref_slice %arg7[%add3A_43, %dma_wait3A_207] : memref<10240x64xf32, #tpu.memory_space<vmem_shared>> -> memref<128x64xf32, #tpu.memory_space<vmem_shared>>
      %dma_wait3A_209 = arith.constant 0 : i32
      %dma_wait3A_210 = tpu.memref_slice %arg7[%add3A_43, %dma_wait3A_209] : memref<10240x64xf32, #tpu.memory_space<vmem_shared>> -> memref<128x64xf32, #tpu.memory_space<vmem_shared>>
      tpu.wait_dma2 semaphore(%run_scoped3A : memref<!tpu.dma_semaphore, #tpu.memory_space<semaphore_mem>>) src(%arg9 : memref<128x64xf32, #tpu.memory_space<vmem>>) dst(%dma_wait3A_210 : memref<128x64xf32, #tpu.memory_space<vmem_shared>>)
      tpu.yield
    }) : () -> ()
    "tpu.region"() ({
      %run_scoped3A = tpu.sem_alloc : memref<!tpu.dma_semaphore, #tpu.memory_space<semaphore_mem>>
      %dma_start3A_203 = arith.constant 0 : i32
      %dma_start3A_204 = tpu.memref_slice %arg8[%add3A_43, %dma_start3A_203] : memref<10240x16xf32, #tpu.memory_space<vmem_shared>> -> memref<128x16xf32, #tpu.memory_space<vmem_shared>>
      %dma_start3A_205 = arith.constant 0 : i32
      %dma_start3A_206 = tpu.memref_slice %arg8[%add3A_43, %dma_start3A_205] : memref<10240x16xf32, #tpu.memory_space<vmem_shared>> -> memref<128x16xf32, #tpu.memory_space<vmem_shared>>
      tpu.enqueue_dma source(%arg10 : memref<128x16xf32, #tpu.memory_space<vmem>>) target(%dma_start3A_206 : memref<128x16xf32, #tpu.memory_space<vmem_shared>>) target_semaphore(%run_scoped3A : memref<!tpu.dma_semaphore, #tpu.memory_space<semaphore_mem>>)
      %dma_wait3A_207 = arith.constant 0 : i32
      %dma_wait3A_208 = tpu.memref_slice %arg8[%add3A_43, %dma_wait3A_207] : memref<10240x16xf32, #tpu.memory_space<vmem_shared>> -> memref<128x16xf32, #tpu.memory_space<vmem_shared>>
      %dma_wait3A_209 = arith.constant 0 : i32
      %dma_wait3A_210 = tpu.memref_slice %arg8[%add3A_43, %dma_wait3A_209] : memref<10240x16xf32, #tpu.memory_space<vmem_shared>> -> memref<128x16xf32, #tpu.memory_space<vmem_shared>>
      tpu.wait_dma2 semaphore(%run_scoped3A : memref<!tpu.dma_semaphore, #tpu.memory_space<semaphore_mem>>) src(%arg10 : memref<128x16xf32, #tpu.memory_space<vmem>>) dst(%dma_wait3A_210 : memref<128x16xf32, #tpu.memory_space<vmem_shared>>)
      tpu.yield
    }) : () -> ()
    %add3A_44 = arith.constant 512 : i32
    %add3A_45 = arith.addi %mul3A_0, %add3A_44 : i32
    "tpu.region"() ({
      %run_scoped3A = tpu.sem_alloc : memref<!tpu.dma_semaphore, #tpu.memory_space<semaphore_mem>>
      %dma_start3A_203 = arith.constant 0 : i32
      %dma_start3A_204 = tpu.memref_slice %arg7[%add3A_45, %dma_start3A_203] : memref<10240x64xf32, #tpu.memory_space<vmem_shared>> -> memref<128x64xf32, #tpu.memory_space<vmem_shared>>
      %dma_start3A_205 = arith.constant 0 : i32
      %dma_start3A_206 = tpu.memref_slice %arg7[%add3A_45, %dma_start3A_205] : memref<10240x64xf32, #tpu.memory_space<vmem_shared>> -> memref<128x64xf32, #tpu.memory_space<vmem_shared>>
      tpu.enqueue_dma source(%arg9 : memref<128x64xf32, #tpu.memory_space<vmem>>) target(%dma_start3A_206 : memref<128x64xf32, #tpu.memory_space<vmem_shared>>) target_semaphore(%run_scoped3A : memref<!tpu.dma_semaphore, #tpu.memory_space<semaphore_mem>>)
      %dma_wait3A_207 = arith.constant 0 : i32
      %dma_wait3A_208 = tpu.memref_slice %arg7[%add3A_45, %dma_wait3A_207] : memref<10240x64xf32, #tpu.memory_space<vmem_shared>> -> memref<128x64xf32, #tpu.memory_space<vmem_shared>>
      %dma_wait3A_209 = arith.constant 0 : i32
      %dma_wait3A_210 = tpu.memref_slice %arg7[%add3A_45, %dma_wait3A_209] : memref<10240x64xf32, #tpu.memory_space<vmem_shared>> -> memref<128x64xf32, #tpu.memory_space<vmem_shared>>
      tpu.wait_dma2 semaphore(%run_scoped3A : memref<!tpu.dma_semaphore, #tpu.memory_space<semaphore_mem>>) src(%arg9 : memref<128x64xf32, #tpu.memory_space<vmem>>) dst(%dma_wait3A_210 : memref<128x64xf32, #tpu.memory_space<vmem_shared>>)
      tpu.yield
    }) : () -> ()
    "tpu.region"() ({
      %run_scoped3A = tpu.sem_alloc : memref<!tpu.dma_semaphore, #tpu.memory_space<semaphore_mem>>
      %dma_start3A_203 = arith.constant 0 : i32
      %dma_start3A_204 = tpu.memref_slice %arg8[%add3A_45, %dma_start3A_203] : memref<10240x16xf32, #tpu.memory_space<vmem_shared>> -> memref<128x16xf32, #tpu.memory_space<vmem_shared>>
      %dma_start3A_205 = arith.constant 0 : i32
      %dma_start3A_206 = tpu.memref_slice %arg8[%add3A_45, %dma_start3A_205] : memref<10240x16xf32, #tpu.memory_space<vmem_shared>> -> memref<128x16xf32, #tpu.memory_space<vmem_shared>>
      tpu.enqueue_dma source(%arg10 : memref<128x16xf32, #tpu.memory_space<vmem>>) target(%dma_start3A_206 : memref<128x16xf32, #tpu.memory_space<vmem_shared>>) target_semaphore(%run_scoped3A : memref<!tpu.dma_semaphore, #tpu.memory_space<semaphore_mem>>)
      %dma_wait3A_207 = arith.constant 0 : i32
      %dma_wait3A_208 = tpu.memref_slice %arg8[%add3A_45, %dma_wait3A_207] : memref<10240x16xf32, #tpu.memory_space<vmem_shared>> -> memref<128x16xf32, #tpu.memory_space<vmem_shared>>
      %dma_wait3A_209 = arith.constant 0 : i32
      %dma_wait3A_210 = tpu.memref_slice %arg8[%add3A_45, %dma_wait3A_209] : memref<10240x16xf32, #tpu.memory_space<vmem_shared>> -> memref<128x16xf32, #tpu.memory_space<vmem_shared>>
      tpu.wait_dma2 semaphore(%run_scoped3A : memref<!tpu.dma_semaphore, #tpu.memory_space<semaphore_mem>>) src(%arg10 : memref<128x16xf32, #tpu.memory_space<vmem>>) dst(%dma_wait3A_210 : memref<128x16xf32, #tpu.memory_space<vmem_shared>>)
      tpu.yield
    }) : () -> ()
    %barrier3A = arith.constant 0 : index
    tpu.barrier barrier_id(%barrier3A)
    %mul3A_46 = arith.constant 0 : i32
    %mul3A_47 = arith.constant 80 : i32
    %mul3A_48 = arith.muli %mul3A_46, %mul3A_47 : i32
    %dma_start3A = arith.constant 0 : i32
    %dma_start3A_49 = arith.constant 0 : i32
    %dma_start3A_50 = arith.constant 0 : i32
    %dma_start3A_51 = tpu.memref_slice %arg13[%dma_start3A, %dma_start3A_49, %dma_start3A_50] : memref<5x80x64xf32, #tpu.memory_space<vmem>> -> memref<1x80x64xf32, #tpu.memory_space<vmem>>
    %dma_start3A_52 = tpu.memref_squeeze %dma_start3A_51 : memref<1x80x64xf32, #tpu.memory_space<vmem>> -> memref<80x64xf32, #tpu.memory_space<vmem>>
    %dma_start3A_53 = tpu.memref_slice %arg11[%mul3A_48] : memref<20000xi32, #tpu.memory_space<vmem>> -> memref<80xi32, #tpu.memory_space<vmem>>
    %dma_start3A_54 = arith.constant 0 : i32
    %dma_start3A_55 = arith.constant 0 : i32
    %dma_start3A_56 = tpu.memref_slice %arg2[%dma_start3A_54, %dma_start3A_55] : memref<20000x64xf32, #tpu.memory_space<hbm>> -> memref<20000x64xf32, #tpu.memory_space<hbm>>
    tpu.enqueue_indirect_dma source(%dma_start3A_56 : memref<20000x64xf32, #tpu.memory_space<hbm>>) target(%dma_start3A_52 : memref<80x64xf32, #tpu.memory_space<vmem>>) offsets(%dma_start3A_53 : memref<80xi32, #tpu.memory_space<vmem>>) semaphore(%arg15 : memref<!tpu.dma_semaphore, #tpu.memory_space<semaphore_mem>>)
    %mul3A_57 = arith.constant 1 : i32
    %mul3A_58 = arith.constant 80 : i32
    %mul3A_59 = arith.muli %mul3A_57, %mul3A_58 : i32
    %dma_start3A_60 = arith.constant 1 : i32
    %dma_start3A_61 = arith.constant 0 : i32
    %dma_start3A_62 = arith.constant 0 : i32
    %dma_start3A_63 = tpu.memref_slice %arg13[%dma_start3A_60, %dma_start3A_61, %dma_start3A_62] : memref<5x80x64xf32, #tpu.memory_space<vmem>> -> memref<1x80x64xf32, #tpu.memory_space<vmem>>
    %dma_start3A_64 = tpu.memref_squeeze %dma_start3A_63 : memref<1x80x64xf32, #tpu.memory_space<vmem>> -> memref<80x64xf32, #tpu.memory_space<vmem>>
    %dma_start3A_65 = tpu.memref_slice %arg11[%mul3A_59] : memref<20000xi32, #tpu.memory_space<vmem>> -> memref<80xi32, #tpu.memory_space<vmem>>
    %dma_start3A_66 = arith.constant 0 : i32
    %dma_start3A_67 = arith.constant 0 : i32
    %dma_start3A_68 = tpu.memref_slice %arg2[%dma_start3A_66, %dma_start3A_67] : memref<20000x64xf32, #tpu.memory_space<hbm>> -> memref<20000x64xf32, #tpu.memory_space<hbm>>
    tpu.enqueue_indirect_dma source(%dma_start3A_68 : memref<20000x64xf32, #tpu.memory_space<hbm>>) target(%dma_start3A_64 : memref<80x64xf32, #tpu.memory_space<vmem>>) offsets(%dma_start3A_65 : memref<80xi32, #tpu.memory_space<vmem>>) semaphore(%arg16 : memref<!tpu.dma_semaphore, #tpu.memory_space<semaphore_mem>>)
    %mul3A_69 = arith.constant 2 : i32
    %mul3A_70 = arith.constant 80 : i32
    %mul3A_71 = arith.muli %mul3A_69, %mul3A_70 : i32
    %dma_start3A_72 = arith.constant 2 : i32
    %dma_start3A_73 = arith.constant 0 : i32
    %dma_start3A_74 = arith.constant 0 : i32
    %dma_start3A_75 = tpu.memref_slice %arg13[%dma_start3A_72, %dma_start3A_73, %dma_start3A_74] : memref<5x80x64xf32, #tpu.memory_space<vmem>> -> memref<1x80x64xf32, #tpu.memory_space<vmem>>
    %dma_start3A_76 = tpu.memref_squeeze %dma_start3A_75 : memref<1x80x64xf32, #tpu.memory_space<vmem>> -> memref<80x64xf32, #tpu.memory_space<vmem>>
    %dma_start3A_77 = tpu.memref_slice %arg11[%mul3A_71] : memref<20000xi32, #tpu.memory_space<vmem>> -> memref<80xi32, #tpu.memory_space<vmem>>
    %dma_start3A_78 = arith.constant 0 : i32
    %dma_start3A_79 = arith.constant 0 : i32
    %dma_start3A_80 = tpu.memref_slice %arg2[%dma_start3A_78, %dma_start3A_79] : memref<20000x64xf32, #tpu.memory_space<hbm>> -> memref<20000x64xf32, #tpu.memory_space<hbm>>
    tpu.enqueue_indirect_dma source(%dma_start3A_80 : memref<20000x64xf32, #tpu.memory_space<hbm>>) target(%dma_start3A_76 : memref<80x64xf32, #tpu.memory_space<vmem>>) offsets(%dma_start3A_77 : memref<80xi32, #tpu.memory_space<vmem>>) semaphore(%arg17 : memref<!tpu.dma_semaphore, #tpu.memory_space<semaphore_mem>>)
    %mul3A_81 = arith.constant 3 : i32
    %mul3A_82 = arith.constant 80 : i32
    %mul3A_83 = arith.muli %mul3A_81, %mul3A_82 : i32
    %dma_start3A_84 = arith.constant 3 : i32
    %dma_start3A_85 = arith.constant 0 : i32
    %dma_start3A_86 = arith.constant 0 : i32
    %dma_start3A_87 = tpu.memref_slice %arg13[%dma_start3A_84, %dma_start3A_85, %dma_start3A_86] : memref<5x80x64xf32, #tpu.memory_space<vmem>> -> memref<1x80x64xf32, #tpu.memory_space<vmem>>
    %dma_start3A_88 = tpu.memref_squeeze %dma_start3A_87 : memref<1x80x64xf32, #tpu.memory_space<vmem>> -> memref<80x64xf32, #tpu.memory_space<vmem>>
    %dma_start3A_89 = tpu.memref_slice %arg11[%mul3A_83] : memref<20000xi32, #tpu.memory_space<vmem>> -> memref<80xi32, #tpu.memory_space<vmem>>
    %dma_start3A_90 = arith.constant 0 : i32
    %dma_start3A_91 = arith.constant 0 : i32
    %dma_start3A_92 = tpu.memref_slice %arg2[%dma_start3A_90, %dma_start3A_91] : memref<20000x64xf32, #tpu.memory_space<hbm>> -> memref<20000x64xf32, #tpu.memory_space<hbm>>
    tpu.enqueue_indirect_dma source(%dma_start3A_92 : memref<20000x64xf32, #tpu.memory_space<hbm>>) target(%dma_start3A_88 : memref<80x64xf32, #tpu.memory_space<vmem>>) offsets(%dma_start3A_89 : memref<80xi32, #tpu.memory_space<vmem>>) semaphore(%arg18 : memref<!tpu.dma_semaphore, #tpu.memory_space<semaphore_mem>>)
    %while3A_93 = arith.constant 0 : i32
    %while3A_94 = arith.constant 0 : i32
    %while3A_95 = arith.constant 50 : i32
    %while3A_96 = arith.subi %while3A_95, %while3A_94 : i32
    %while3A_97 = arith.addi %while3A_94, %while3A_96 : i32
    %while3A_98 = arith.constant 1 : i32
    %while3A_99 = arith.divsi %while3A_96, %while3A_98 : i32
    %while3A_100 = arith.muli %while3A_99, %while3A_98 : i32
    %while3A_101 = arith.addi %while3A_94, %while3A_100 : i32
    %while3A_102 = arith.constant 1 : i32
    scf.for %while3A_203 = %while3A_94 to %while3A_101 step %while3A_102  : i32 {
      %mul3A_204 = arith.constant 5 : i32
      %mul3A_205 = arith.muli %while3A_203, %mul3A_204 : i32
      %add3A_206 = arith.constant 0 : i32
      %add3A_207 = arith.addi %mul3A_205, %add3A_206 : i32
      %add3A_208 = arith.constant 4 : i32
      %add3A_209 = arith.addi %add3A_207, %add3A_208 : i32
      %lt3A = arith.constant 250 : i32
      %lt3A_210 = arith.cmpi slt, %add3A_209, %lt3A : i32
      %convert_element_type3A_211 = arith.extui %lt3A_210 : i1 to i32
      %cond3A_212 = arith.constant 4 : i32
      %cond3A_213 = arith.constant 0 : i32
      %cond3A_214 = arith.cmpi ne, %convert_element_type3A_211, %cond3A_213 : i32
      scf.if %cond3A_214 {
        %ge3A = arith.constant 1 : i32
        %ge3A_395 = arith.cmpi sge, %add3A_207, %ge3A : i32
        %convert_element_type3A_396 = arith.extui %ge3A_395 : i1 to i32
        %cond3A_397 = arith.constant 0 : i32
        %cond3A_398 = arith.cmpi ne, %convert_element_type3A_396, %cond3A_397 : i32
        scf.if %cond3A_398 {
          %sub3A = arith.constant 1 : i32
          %sub3A_412 = arith.subi %add3A_207, %sub3A : i32
          %dma_wait3A_413 = arith.constant 0 : i32
          %dma_wait3A_414 = arith.constant 0 : i32
          %dma_wait3A_415 = tpu.memref_slice %arg13[%cond3A_212, %dma_wait3A_413, %dma_wait3A_414] : memref<5x80x64xf32, #tpu.memory_space<vmem>> -> memref<1x80x64xf32, #tpu.memory_space<vmem>>
          %dma_wait3A_416 = tpu.memref_squeeze %dma_wait3A_415 : memref<1x80x64xf32, #tpu.memory_space<vmem>> -> memref<80x64xf32, #tpu.memory_space<vmem>>
          %dma_wait3A_417 = arith.constant 0 : i32
          %dma_wait3A_418 = tpu.memref_slice %arg12[%sub3A_412, %dma_wait3A_417] : memref<250x80xi32, #tpu.memory_space<vmem>> -> memref<1x80xi32, #tpu.memory_space<vmem>>
          %dma_wait3A_419 = tpu.memref_squeeze %dma_wait3A_418 : memref<1x80xi32, #tpu.memory_space<vmem>> -> memref<80xi32, #tpu.memory_space<vmem>>
          %dma_wait3A_420 = arith.constant 0 : i32
          %dma_wait3A_421 = arith.constant 0 : i32
          %dma_wait3A_422 = tpu.memref_slice %arg7[%dma_wait3A_420, %dma_wait3A_421] : memref<10240x64xf32, #tpu.memory_space<vmem_shared>> -> memref<10240x64xf32, #tpu.memory_space<vmem_shared>>
          tpu.wait_indirect_dma semaphore(%arg24 : memref<!tpu.dma_semaphore, #tpu.memory_space<semaphore_mem>>) src(%dma_wait3A_416 : memref<80x64xf32, #tpu.memory_space<vmem>>) dst(%dma_wait3A_422 : memref<10240x64xf32, #tpu.memory_space<vmem_shared>>)
          %sub3A_423 = arith.constant 1 : i32
          %sub3A_424 = arith.subi %add3A_207, %sub3A_423 : i32
          %rem3A_425 = arith.constant 2 : i32
          %rem3A_426 = arith.remsi %sub3A_424, %rem3A_425 : i32
          %eq3A_427 = arith.cmpi eq, %rem3A_426, %arg0 : i32
          %convert_element_type3A_428 = arith.extui %eq3A_427 : i1 to i32
          %cond3A_429 = arith.constant 0 : i32
          %cond3A_430 = arith.cmpi ne, %convert_element_type3A_428, %cond3A_429 : i32
          scf.if %cond3A_430 {
            %sub3A_431 = arith.constant 1 : i32
            %sub3A_432 = arith.subi %add3A_207, %sub3A_431 : i32
            %dma_wait3A_433 = arith.constant 0 : i32
            %dma_wait3A_434 = tpu.memref_slice %arg12[%sub3A_432, %dma_wait3A_433] : memref<250x80xi32, #tpu.memory_space<vmem>> -> memref<1x80xi32, #tpu.memory_space<vmem>>
            %dma_wait3A_435 = tpu.memref_squeeze %dma_wait3A_434 : memref<1x80xi32, #tpu.memory_space<vmem>> -> memref<80xi32, #tpu.memory_space<vmem>>
            %dma_wait3A_436 = arith.constant 0 : i32
            %dma_wait3A_437 = arith.constant 0 : i32
            %dma_wait3A_438 = tpu.memref_slice %arg8[%dma_wait3A_436, %dma_wait3A_437] : memref<10240x16xf32, #tpu.memory_space<vmem_shared>> -> memref<10240x16xf32, #tpu.memory_space<vmem_shared>>
            tpu.wait_indirect_dma semaphore(%arg29 : memref<!tpu.dma_semaphore, #tpu.memory_space<semaphore_mem>>) src(%arg14 : memref<80x16xf32, #tpu.memory_space<vmem>>) dst(%dma_wait3A_438 : memref<10240x16xf32, #tpu.memory_space<vmem_shared>>)
          } else {
          }
        } else {
        }
        %add3A_399 = arith.constant 4 : i32
        %add3A_400 = arith.addi %add3A_207, %add3A_399 : i32
        %mul3A_401 = arith.constant 80 : i32
        %mul3A_402 = arith.muli %add3A_400, %mul3A_401 : i32
        %dma_start3A_403 = arith.constant 4 : i32
        %dma_start3A_404 = arith.constant 0 : i32
        %dma_start3A_405 = arith.constant 0 : i32
        %dma_start3A_406 = tpu.memref_slice %arg13[%dma_start3A_403, %dma_start3A_404, %dma_start3A_405] : memref<5x80x64xf32, #tpu.memory_space<vmem>> -> memref<1x80x64xf32, #tpu.memory_space<vmem>>
        %dma_start3A_407 = tpu.memref_squeeze %dma_start3A_406 : memref<1x80x64xf32, #tpu.memory_space<vmem>> -> memref<80x64xf32, #tpu.memory_space<vmem>>
        %dma_start3A_408 = tpu.memref_slice %arg11[%mul3A_402] : memref<20000xi32, #tpu.memory_space<vmem>> -> memref<80xi32, #tpu.memory_space<vmem>>
        %dma_start3A_409 = arith.constant 0 : i32
        %dma_start3A_410 = arith.constant 0 : i32
        %dma_start3A_411 = tpu.memref_slice %arg2[%dma_start3A_409, %dma_start3A_410] : memref<20000x64xf32, #tpu.memory_space<hbm>> -> memref<20000x64xf32, #tpu.memory_space<hbm>>
        tpu.enqueue_indirect_dma source(%dma_start3A_411 : memref<20000x64xf32, #tpu.memory_space<hbm>>) target(%dma_start3A_407 : memref<80x64xf32, #tpu.memory_space<vmem>>) offsets(%dma_start3A_408 : memref<80xi32, #tpu.memory_space<vmem>>) semaphore(%arg19 : memref<!tpu.dma_semaphore, #tpu.memory_space<semaphore_mem>>)
      } else {
      }
      %mul3A_215 = arith.constant 80 : i32
      %mul3A_216 = arith.muli %add3A_207, %mul3A_215 : i32
      %dma_wait3A_217 = arith.constant 0 : i32
      %dma_wait3A_218 = arith.constant 0 : i32
      %dma_wait3A_219 = arith.constant 0 : i32
      %dma_wait3A_220 = tpu.memref_slice %arg13[%dma_wait3A_217, %dma_wait3A_218, %dma_wait3A_219] : memref<5x80x64xf32, #tpu.memory_space<vmem>> -> memref<1x80x64xf32, #tpu.memory_space<vmem>>
      %dma_wait3A_221 = tpu.memref_squeeze %dma_wait3A_220 : memref<1x80x64xf32, #tpu.memory_space<vmem>> -> memref<80x64xf32, #tpu.memory_space<vmem>>
      %dma_wait3A_222 = tpu.memref_slice %arg11[%mul3A_216] : memref<20000xi32, #tpu.memory_space<vmem>> -> memref<80xi32, #tpu.memory_space<vmem>>
      %dma_wait3A_223 = arith.constant 0 : i32
      %dma_wait3A_224 = arith.constant 0 : i32
      %dma_wait3A_225 = tpu.memref_slice %arg2[%dma_wait3A_223, %dma_wait3A_224] : memref<20000x64xf32, #tpu.memory_space<hbm>> -> memref<20000x64xf32, #tpu.memory_space<hbm>>
      tpu.wait_indirect_dma semaphore(%arg15 : memref<!tpu.dma_semaphore, #tpu.memory_space<semaphore_mem>>) src(%dma_wait3A_225 : memref<20000x64xf32, #tpu.memory_space<hbm>>) dst(%dma_wait3A_221 : memref<80x64xf32, #tpu.memory_space<vmem>>)
      %dma_start3A_226 = arith.constant 0 : i32
      %dma_start3A_227 = arith.constant 0 : i32
      %dma_start3A_228 = arith.constant 0 : i32
      %dma_start3A_229 = tpu.memref_slice %arg13[%dma_start3A_226, %dma_start3A_227, %dma_start3A_228] : memref<5x80x64xf32, #tpu.memory_space<vmem>> -> memref<1x80x64xf32, #tpu.memory_space<vmem>>
      %dma_start3A_230 = tpu.memref_squeeze %dma_start3A_229 : memref<1x80x64xf32, #tpu.memory_space<vmem>> -> memref<80x64xf32, #tpu.memory_space<vmem>>
      %dma_start3A_231 = arith.constant 0 : i32
      %dma_start3A_232 = tpu.memref_slice %arg12[%add3A_207, %dma_start3A_231] : memref<250x80xi32, #tpu.memory_space<vmem>> -> memref<1x80xi32, #tpu.memory_space<vmem>>
      %dma_start3A_233 = tpu.memref_squeeze %dma_start3A_232 : memref<1x80xi32, #tpu.memory_space<vmem>> -> memref<80xi32, #tpu.memory_space<vmem>>
      %dma_start3A_234 = arith.constant 0 : i32
      %dma_start3A_235 = arith.constant 0 : i32
      %dma_start3A_236 = tpu.memref_slice %arg7[%dma_start3A_234, %dma_start3A_235] : memref<10240x64xf32, #tpu.memory_space<vmem_shared>> -> memref<10240x64xf32, #tpu.memory_space<vmem_shared>>
      tpu.enqueue_indirect_dma source(%dma_start3A_230 : memref<80x64xf32, #tpu.memory_space<vmem>>) target(%dma_start3A_236 : memref<10240x64xf32, #tpu.memory_space<vmem_shared>>) offsets(%dma_start3A_233 : memref<80xi32, #tpu.memory_space<vmem>>) semaphore(%arg20 : memref<!tpu.dma_semaphore, #tpu.memory_space<semaphore_mem>>) {add = true}
      %rem3A_237 = arith.constant 2 : i32
      %rem3A_238 = arith.remsi %add3A_207, %rem3A_237 : i32
      %eq3A_239 = arith.cmpi eq, %rem3A_238, %arg0 : i32
      %convert_element_type3A_240 = arith.extui %eq3A_239 : i1 to i32
      %cond3A_241 = arith.constant 0 : i32
      %cond3A_242 = arith.cmpi ne, %convert_element_type3A_240, %cond3A_241 : i32
      scf.if %cond3A_242 {
        %dma_start3A_395 = arith.constant 0 : i32
        %dma_start3A_396 = tpu.memref_slice %arg12[%add3A_207, %dma_start3A_395] : memref<250x80xi32, #tpu.memory_space<vmem>> -> memref<1x80xi32, #tpu.memory_space<vmem>>
        %dma_start3A_397 = tpu.memref_squeeze %dma_start3A_396 : memref<1x80xi32, #tpu.memory_space<vmem>> -> memref<80xi32, #tpu.memory_space<vmem>>
        %dma_start3A_398 = arith.constant 0 : i32
        %dma_start3A_399 = arith.constant 0 : i32
        %dma_start3A_400 = tpu.memref_slice %arg8[%dma_start3A_398, %dma_start3A_399] : memref<10240x16xf32, #tpu.memory_space<vmem_shared>> -> memref<10240x16xf32, #tpu.memory_space<vmem_shared>>
        tpu.enqueue_indirect_dma source(%arg14 : memref<80x16xf32, #tpu.memory_space<vmem>>) target(%dma_start3A_400 : memref<10240x16xf32, #tpu.memory_space<vmem_shared>>) offsets(%dma_start3A_397 : memref<80xi32, #tpu.memory_space<vmem>>) semaphore(%arg25 : memref<!tpu.dma_semaphore, #tpu.memory_space<semaphore_mem>>) {add = true}
      } else {
      }
      %add3A_243 = arith.constant 1 : i32
      %add3A_244 = arith.addi %mul3A_205, %add3A_243 : i32
      %add3A_245 = arith.constant 4 : i32
      %add3A_246 = arith.addi %add3A_244, %add3A_245 : i32
      %lt3A_247 = arith.constant 250 : i32
      %lt3A_248 = arith.cmpi slt, %add3A_246, %lt3A_247 : i32
      %convert_element_type3A_249 = arith.extui %lt3A_248 : i1 to i32
      %cond3A_250 = arith.constant 0 : i32
      %cond3A_251 = arith.constant 0 : i32
      %cond3A_252 = arith.cmpi ne, %convert_element_type3A_249, %cond3A_251 : i32
      scf.if %cond3A_252 {
        %ge3A = arith.constant 1 : i32
        %ge3A_395 = arith.cmpi sge, %add3A_244, %ge3A : i32
        %convert_element_type3A_396 = arith.extui %ge3A_395 : i1 to i32
        %cond3A_397 = arith.constant 0 : i32
        %cond3A_398 = arith.cmpi ne, %convert_element_type3A_396, %cond3A_397 : i32
        scf.if %cond3A_398 {
          %sub3A = arith.constant 1 : i32
          %sub3A_412 = arith.subi %add3A_244, %sub3A : i32
          %dma_wait3A_413 = arith.constant 0 : i32
          %dma_wait3A_414 = arith.constant 0 : i32
          %dma_wait3A_415 = tpu.memref_slice %arg13[%cond3A_250, %dma_wait3A_413, %dma_wait3A_414] : memref<5x80x64xf32, #tpu.memory_space<vmem>> -> memref<1x80x64xf32, #tpu.memory_space<vmem>>
          %dma_wait3A_416 = tpu.memref_squeeze %dma_wait3A_415 : memref<1x80x64xf32, #tpu.memory_space<vmem>> -> memref<80x64xf32, #tpu.memory_space<vmem>>
          %dma_wait3A_417 = arith.constant 0 : i32
          %dma_wait3A_418 = tpu.memref_slice %arg12[%sub3A_412, %dma_wait3A_417] : memref<250x80xi32, #tpu.memory_space<vmem>> -> memref<1x80xi32, #tpu.memory_space<vmem>>
          %dma_wait3A_419 = tpu.memref_squeeze %dma_wait3A_418 : memref<1x80xi32, #tpu.memory_space<vmem>> -> memref<80xi32, #tpu.memory_space<vmem>>
          %dma_wait3A_420 = arith.constant 0 : i32
          %dma_wait3A_421 = arith.constant 0 : i32
          %dma_wait3A_422 = tpu.memref_slice %arg7[%dma_wait3A_420, %dma_wait3A_421] : memref<10240x64xf32, #tpu.memory_space<vmem_shared>> -> memref<10240x64xf32, #tpu.memory_space<vmem_shared>>
          tpu.wait_indirect_dma semaphore(%arg20 : memref<!tpu.dma_semaphore, #tpu.memory_space<semaphore_mem>>) src(%dma_wait3A_416 : memref<80x64xf32, #tpu.memory_space<vmem>>) dst(%dma_wait3A_422 : memref<10240x64xf32, #tpu.memory_space<vmem_shared>>)
          %sub3A_423 = arith.constant 1 : i32
          %sub3A_424 = arith.subi %add3A_244, %sub3A_423 : i32
          %rem3A_425 = arith.constant 2 : i32
          %rem3A_426 = arith.remsi %sub3A_424, %rem3A_425 : i32
          %eq3A_427 = arith.cmpi eq, %rem3A_426, %arg0 : i32
          %convert_element_type3A_428 = arith.extui %eq3A_427 : i1 to i32
          %cond3A_429 = arith.constant 0 : i32
          %cond3A_430 = arith.cmpi ne, %convert_element_type3A_428, %cond3A_429 : i32
          scf.if %cond3A_430 {
            %sub3A_431 = arith.constant 1 : i32
            %sub3A_432 = arith.subi %add3A_244, %sub3A_431 : i32
            %dma_wait3A_433 = arith.constant 0 : i32
            %dma_wait3A_434 = tpu.memref_slice %arg12[%sub3A_432, %dma_wait3A_433] : memref<250x80xi32, #tpu.memory_space<vmem>> -> memref<1x80xi32, #tpu.memory_space<vmem>>
            %dma_wait3A_435 = tpu.memref_squeeze %dma_wait3A_434 : memref<1x80xi32, #tpu.memory_space<vmem>> -> memref<80xi32, #tpu.memory_space<vmem>>
            %dma_wait3A_436 = arith.constant 0 : i32
            %dma_wait3A_437 = arith.constant 0 : i32
            %dma_wait3A_438 = tpu.memref_slice %arg8[%dma_wait3A_436, %dma_wait3A_437] : memref<10240x16xf32, #tpu.memory_space<vmem_shared>> -> memref<10240x16xf32, #tpu.memory_space<vmem_shared>>
            tpu.wait_indirect_dma semaphore(%arg25 : memref<!tpu.dma_semaphore, #tpu.memory_space<semaphore_mem>>) src(%arg14 : memref<80x16xf32, #tpu.memory_space<vmem>>) dst(%dma_wait3A_438 : memref<10240x16xf32, #tpu.memory_space<vmem_shared>>)
          } else {
          }
        } else {
        }
        %add3A_399 = arith.constant 4 : i32
        %add3A_400 = arith.addi %add3A_244, %add3A_399 : i32
        %mul3A_401 = arith.constant 80 : i32
        %mul3A_402 = arith.muli %add3A_400, %mul3A_401 : i32
        %dma_start3A_403 = arith.constant 0 : i32
        %dma_start3A_404 = arith.constant 0 : i32
        %dma_start3A_405 = arith.constant 0 : i32
        %dma_start3A_406 = tpu.memref_slice %arg13[%dma_start3A_403, %dma_start3A_404, %dma_start3A_405] : memref<5x80x64xf32, #tpu.memory_space<vmem>> -> memref<1x80x64xf32, #tpu.memory_space<vmem>>
        %dma_start3A_407 = tpu.memref_squeeze %dma_start3A_406 : memref<1x80x64xf32, #tpu.memory_space<vmem>> -> memref<80x64xf32, #tpu.memory_space<vmem>>
        %dma_start3A_408 = tpu.memref_slice %arg11[%mul3A_402] : memref<20000xi32, #tpu.memory_space<vmem>> -> memref<80xi32, #tpu.memory_space<vmem>>
        %dma_start3A_409 = arith.constant 0 : i32
        %dma_start3A_410 = arith.constant 0 : i32
        %dma_start3A_411 = tpu.memref_slice %arg2[%dma_start3A_409, %dma_start3A_410] : memref<20000x64xf32, #tpu.memory_space<hbm>> -> memref<20000x64xf32, #tpu.memory_space<hbm>>
        tpu.enqueue_indirect_dma source(%dma_start3A_411 : memref<20000x64xf32, #tpu.memory_space<hbm>>) target(%dma_start3A_407 : memref<80x64xf32, #tpu.memory_space<vmem>>) offsets(%dma_start3A_408 : memref<80xi32, #tpu.memory_space<vmem>>) semaphore(%arg15 : memref<!tpu.dma_semaphore, #tpu.memory_space<semaphore_mem>>)
      } else {
      }
      %mul3A_253 = arith.constant 80 : i32
      %mul3A_254 = arith.muli %add3A_244, %mul3A_253 : i32
      %dma_wait3A_255 = arith.constant 1 : i32
      %dma_wait3A_256 = arith.constant 0 : i32
      %dma_wait3A_257 = arith.constant 0 : i32
      %dma_wait3A_258 = tpu.memref_slice %arg13[%dma_wait3A_255, %dma_wait3A_256, %dma_wait3A_257] : memref<5x80x64xf32, #tpu.memory_space<vmem>> -> memref<1x80x64xf32, #tpu.memory_space<vmem>>
      %dma_wait3A_259 = tpu.memref_squeeze %dma_wait3A_258 : memref<1x80x64xf32, #tpu.memory_space<vmem>> -> memref<80x64xf32, #tpu.memory_space<vmem>>
      %dma_wait3A_260 = tpu.memref_slice %arg11[%mul3A_254] : memref<20000xi32, #tpu.memory_space<vmem>> -> memref<80xi32, #tpu.memory_space<vmem>>
      %dma_wait3A_261 = arith.constant 0 : i32
      %dma_wait3A_262 = arith.constant 0 : i32
      %dma_wait3A_263 = tpu.memref_slice %arg2[%dma_wait3A_261, %dma_wait3A_262] : memref<20000x64xf32, #tpu.memory_space<hbm>> -> memref<20000x64xf32, #tpu.memory_space<hbm>>
      tpu.wait_indirect_dma semaphore(%arg16 : memref<!tpu.dma_semaphore, #tpu.memory_space<semaphore_mem>>) src(%dma_wait3A_263 : memref<20000x64xf32, #tpu.memory_space<hbm>>) dst(%dma_wait3A_259 : memref<80x64xf32, #tpu.memory_space<vmem>>)
      %dma_start3A_264 = arith.constant 1 : i32
      %dma_start3A_265 = arith.constant 0 : i32
      %dma_start3A_266 = arith.constant 0 : i32
      %dma_start3A_267 = tpu.memref_slice %arg13[%dma_start3A_264, %dma_start3A_265, %dma_start3A_266] : memref<5x80x64xf32, #tpu.memory_space<vmem>> -> memref<1x80x64xf32, #tpu.memory_space<vmem>>
      %dma_start3A_268 = tpu.memref_squeeze %dma_start3A_267 : memref<1x80x64xf32, #tpu.memory_space<vmem>> -> memref<80x64xf32, #tpu.memory_space<vmem>>
      %dma_start3A_269 = arith.constant 0 : i32
      %dma_start3A_270 = tpu.memref_slice %arg12[%add3A_244, %dma_start3A_269] : memref<250x80xi32, #tpu.memory_space<vmem>> -> memref<1x80xi32, #tpu.memory_space<vmem>>
      %dma_start3A_271 = tpu.memref_squeeze %dma_start3A_270 : memref<1x80xi32, #tpu.memory_space<vmem>> -> memref<80xi32, #tpu.memory_space<vmem>>
      %dma_start3A_272 = arith.constant 0 : i32
      %dma_start3A_273 = arith.constant 0 : i32
      %dma_start3A_274 = tpu.memref_slice %arg7[%dma_start3A_272, %dma_start3A_273] : memref<10240x64xf32, #tpu.memory_space<vmem_shared>> -> memref<10240x64xf32, #tpu.memory_space<vmem_shared>>
      tpu.enqueue_indirect_dma source(%dma_start3A_268 : memref<80x64xf32, #tpu.memory_space<vmem>>) target(%dma_start3A_274 : memref<10240x64xf32, #tpu.memory_space<vmem_shared>>) offsets(%dma_start3A_271 : memref<80xi32, #tpu.memory_space<vmem>>) semaphore(%arg21 : memref<!tpu.dma_semaphore, #tpu.memory_space<semaphore_mem>>) {add = true}
      %rem3A_275 = arith.constant 2 : i32
      %rem3A_276 = arith.remsi %add3A_244, %rem3A_275 : i32
      %eq3A_277 = arith.cmpi eq, %rem3A_276, %arg0 : i32
      %convert_element_type3A_278 = arith.extui %eq3A_277 : i1 to i32
      %cond3A_279 = arith.constant 0 : i32
      %cond3A_280 = arith.cmpi ne, %convert_element_type3A_278, %cond3A_279 : i32
      scf.if %cond3A_280 {
        %dma_start3A_395 = arith.constant 0 : i32
        %dma_start3A_396 = tpu.memref_slice %arg12[%add3A_244, %dma_start3A_395] : memref<250x80xi32, #tpu.memory_space<vmem>> -> memref<1x80xi32, #tpu.memory_space<vmem>>
        %dma_start3A_397 = tpu.memref_squeeze %dma_start3A_396 : memref<1x80xi32, #tpu.memory_space<vmem>> -> memref<80xi32, #tpu.memory_space<vmem>>
        %dma_start3A_398 = arith.constant 0 : i32
        %dma_start3A_399 = arith.constant 0 : i32
        %dma_start3A_400 = tpu.memref_slice %arg8[%dma_start3A_398, %dma_start3A_399] : memref<10240x16xf32, #tpu.memory_space<vmem_shared>> -> memref<10240x16xf32, #tpu.memory_space<vmem_shared>>
        tpu.enqueue_indirect_dma source(%arg14 : memref<80x16xf32, #tpu.memory_space<vmem>>) target(%dma_start3A_400 : memref<10240x16xf32, #tpu.memory_space<vmem_shared>>) offsets(%dma_start3A_397 : memref<80xi32, #tpu.memory_space<vmem>>) semaphore(%arg26 : memref<!tpu.dma_semaphore, #tpu.memory_space<semaphore_mem>>) {add = true}
      } else {
      }
      %add3A_281 = arith.constant 2 : i32
      %add3A_282 = arith.addi %mul3A_205, %add3A_281 : i32
      %add3A_283 = arith.constant 4 : i32
      %add3A_284 = arith.addi %add3A_282, %add3A_283 : i32
      %lt3A_285 = arith.constant 250 : i32
      %lt3A_286 = arith.cmpi slt, %add3A_284, %lt3A_285 : i32
      %convert_element_type3A_287 = arith.extui %lt3A_286 : i1 to i32
      %cond3A_288 = arith.constant 1 : i32
      %cond3A_289 = arith.constant 0 : i32
      %cond3A_290 = arith.cmpi ne, %convert_element_type3A_287, %cond3A_289 : i32
      scf.if %cond3A_290 {
        %ge3A = arith.constant 1 : i32
        %ge3A_395 = arith.cmpi sge, %add3A_282, %ge3A : i32
        %convert_element_type3A_396 = arith.extui %ge3A_395 : i1 to i32
        %cond3A_397 = arith.constant 0 : i32
        %cond3A_398 = arith.cmpi ne, %convert_element_type3A_396, %cond3A_397 : i32
        scf.if %cond3A_398 {
          %sub3A = arith.constant 1 : i32
          %sub3A_412 = arith.subi %add3A_282, %sub3A : i32
          %dma_wait3A_413 = arith.constant 0 : i32
          %dma_wait3A_414 = arith.constant 0 : i32
          %dma_wait3A_415 = tpu.memref_slice %arg13[%cond3A_288, %dma_wait3A_413, %dma_wait3A_414] : memref<5x80x64xf32, #tpu.memory_space<vmem>> -> memref<1x80x64xf32, #tpu.memory_space<vmem>>
          %dma_wait3A_416 = tpu.memref_squeeze %dma_wait3A_415 : memref<1x80x64xf32, #tpu.memory_space<vmem>> -> memref<80x64xf32, #tpu.memory_space<vmem>>
          %dma_wait3A_417 = arith.constant 0 : i32
          %dma_wait3A_418 = tpu.memref_slice %arg12[%sub3A_412, %dma_wait3A_417] : memref<250x80xi32, #tpu.memory_space<vmem>> -> memref<1x80xi32, #tpu.memory_space<vmem>>
          %dma_wait3A_419 = tpu.memref_squeeze %dma_wait3A_418 : memref<1x80xi32, #tpu.memory_space<vmem>> -> memref<80xi32, #tpu.memory_space<vmem>>
          %dma_wait3A_420 = arith.constant 0 : i32
          %dma_wait3A_421 = arith.constant 0 : i32
          %dma_wait3A_422 = tpu.memref_slice %arg7[%dma_wait3A_420, %dma_wait3A_421] : memref<10240x64xf32, #tpu.memory_space<vmem_shared>> -> memref<10240x64xf32, #tpu.memory_space<vmem_shared>>
          tpu.wait_indirect_dma semaphore(%arg21 : memref<!tpu.dma_semaphore, #tpu.memory_space<semaphore_mem>>) src(%dma_wait3A_416 : memref<80x64xf32, #tpu.memory_space<vmem>>) dst(%dma_wait3A_422 : memref<10240x64xf32, #tpu.memory_space<vmem_shared>>)
          %sub3A_423 = arith.constant 1 : i32
          %sub3A_424 = arith.subi %add3A_282, %sub3A_423 : i32
          %rem3A_425 = arith.constant 2 : i32
          %rem3A_426 = arith.remsi %sub3A_424, %rem3A_425 : i32
          %eq3A_427 = arith.cmpi eq, %rem3A_426, %arg0 : i32
          %convert_element_type3A_428 = arith.extui %eq3A_427 : i1 to i32
          %cond3A_429 = arith.constant 0 : i32
          %cond3A_430 = arith.cmpi ne, %convert_element_type3A_428, %cond3A_429 : i32
          scf.if %cond3A_430 {
            %sub3A_431 = arith.constant 1 : i32
            %sub3A_432 = arith.subi %add3A_282, %sub3A_431 : i32
            %dma_wait3A_433 = arith.constant 0 : i32
            %dma_wait3A_434 = tpu.memref_slice %arg12[%sub3A_432, %dma_wait3A_433] : memref<250x80xi32, #tpu.memory_space<vmem>> -> memref<1x80xi32, #tpu.memory_space<vmem>>
            %dma_wait3A_435 = tpu.memref_squeeze %dma_wait3A_434 : memref<1x80xi32, #tpu.memory_space<vmem>> -> memref<80xi32, #tpu.memory_space<vmem>>
            %dma_wait3A_436 = arith.constant 0 : i32
            %dma_wait3A_437 = arith.constant 0 : i32
            %dma_wait3A_438 = tpu.memref_slice %arg8[%dma_wait3A_436, %dma_wait3A_437] : memref<10240x16xf32, #tpu.memory_space<vmem_shared>> -> memref<10240x16xf32, #tpu.memory_space<vmem_shared>>
            tpu.wait_indirect_dma semaphore(%arg26 : memref<!tpu.dma_semaphore, #tpu.memory_space<semaphore_mem>>) src(%arg14 : memref<80x16xf32, #tpu.memory_space<vmem>>) dst(%dma_wait3A_438 : memref<10240x16xf32, #tpu.memory_space<vmem_shared>>)
          } else {
          }
        } else {
        }
        %add3A_399 = arith.constant 4 : i32
        %add3A_400 = arith.addi %add3A_282, %add3A_399 : i32
        %mul3A_401 = arith.constant 80 : i32
        %mul3A_402 = arith.muli %add3A_400, %mul3A_401 : i32
        %dma_start3A_403 = arith.constant 1 : i32
        %dma_start3A_404 = arith.constant 0 : i32
        %dma_start3A_405 = arith.constant 0 : i32
        %dma_start3A_406 = tpu.memref_slice %arg13[%dma_start3A_403, %dma_start3A_404, %dma_start3A_405] : memref<5x80x64xf32, #tpu.memory_space<vmem>> -> memref<1x80x64xf32, #tpu.memory_space<vmem>>
        %dma_start3A_407 = tpu.memref_squeeze %dma_start3A_406 : memref<1x80x64xf32, #tpu.memory_space<vmem>> -> memref<80x64xf32, #tpu.memory_space<vmem>>
        %dma_start3A_408 = tpu.memref_slice %arg11[%mul3A_402] : memref<20000xi32, #tpu.memory_space<vmem>> -> memref<80xi32, #tpu.memory_space<vmem>>
        %dma_start3A_409 = arith.constant 0 : i32
        %dma_start3A_410 = arith.constant 0 : i32
        %dma_start3A_411 = tpu.memref_slice %arg2[%dma_start3A_409, %dma_start3A_410] : memref<20000x64xf32, #tpu.memory_space<hbm>> -> memref<20000x64xf32, #tpu.memory_space<hbm>>
        tpu.enqueue_indirect_dma source(%dma_start3A_411 : memref<20000x64xf32, #tpu.memory_space<hbm>>) target(%dma_start3A_407 : memref<80x64xf32, #tpu.memory_space<vmem>>) offsets(%dma_start3A_408 : memref<80xi32, #tpu.memory_space<vmem>>) semaphore(%arg16 : memref<!tpu.dma_semaphore, #tpu.memory_space<semaphore_mem>>)
      } else {
      }
      %mul3A_291 = arith.constant 80 : i32
      %mul3A_292 = arith.muli %add3A_282, %mul3A_291 : i32
      %dma_wait3A_293 = arith.constant 2 : i32
      %dma_wait3A_294 = arith.constant 0 : i32
      %dma_wait3A_295 = arith.constant 0 : i32
      %dma_wait3A_296 = tpu.memref_slice %arg13[%dma_wait3A_293, %dma_wait3A_294, %dma_wait3A_295] : memref<5x80x64xf32, #tpu.memory_space<vmem>> -> memref<1x80x64xf32, #tpu.memory_space<vmem>>
      %dma_wait3A_297 = tpu.memref_squeeze %dma_wait3A_296 : memref<1x80x64xf32, #tpu.memory_space<vmem>> -> memref<80x64xf32, #tpu.memory_space<vmem>>
      %dma_wait3A_298 = tpu.memref_slice %arg11[%mul3A_292] : memref<20000xi32, #tpu.memory_space<vmem>> -> memref<80xi32, #tpu.memory_space<vmem>>
      %dma_wait3A_299 = arith.constant 0 : i32
      %dma_wait3A_300 = arith.constant 0 : i32
      %dma_wait3A_301 = tpu.memref_slice %arg2[%dma_wait3A_299, %dma_wait3A_300] : memref<20000x64xf32, #tpu.memory_space<hbm>> -> memref<20000x64xf32, #tpu.memory_space<hbm>>
      tpu.wait_indirect_dma semaphore(%arg17 : memref<!tpu.dma_semaphore, #tpu.memory_space<semaphore_mem>>) src(%dma_wait3A_301 : memref<20000x64xf32, #tpu.memory_space<hbm>>) dst(%dma_wait3A_297 : memref<80x64xf32, #tpu.memory_space<vmem>>)
      %dma_start3A_302 = arith.constant 2 : i32
      %dma_start3A_303 = arith.constant 0 : i32
      %dma_start3A_304 = arith.constant 0 : i32
      %dma_start3A_305 = tpu.memref_slice %arg13[%dma_start3A_302, %dma_start3A_303, %dma_start3A_304] : memref<5x80x64xf32, #tpu.memory_space<vmem>> -> memref<1x80x64xf32, #tpu.memory_space<vmem>>
      %dma_start3A_306 = tpu.memref_squeeze %dma_start3A_305 : memref<1x80x64xf32, #tpu.memory_space<vmem>> -> memref<80x64xf32, #tpu.memory_space<vmem>>
      %dma_start3A_307 = arith.constant 0 : i32
      %dma_start3A_308 = tpu.memref_slice %arg12[%add3A_282, %dma_start3A_307] : memref<250x80xi32, #tpu.memory_space<vmem>> -> memref<1x80xi32, #tpu.memory_space<vmem>>
      %dma_start3A_309 = tpu.memref_squeeze %dma_start3A_308 : memref<1x80xi32, #tpu.memory_space<vmem>> -> memref<80xi32, #tpu.memory_space<vmem>>
      %dma_start3A_310 = arith.constant 0 : i32
      %dma_start3A_311 = arith.constant 0 : i32
      %dma_start3A_312 = tpu.memref_slice %arg7[%dma_start3A_310, %dma_start3A_311] : memref<10240x64xf32, #tpu.memory_space<vmem_shared>> -> memref<10240x64xf32, #tpu.memory_space<vmem_shared>>
      tpu.enqueue_indirect_dma source(%dma_start3A_306 : memref<80x64xf32, #tpu.memory_space<vmem>>) target(%dma_start3A_312 : memref<10240x64xf32, #tpu.memory_space<vmem_shared>>) offsets(%dma_start3A_309 : memref<80xi32, #tpu.memory_space<vmem>>) semaphore(%arg22 : memref<!tpu.dma_semaphore, #tpu.memory_space<semaphore_mem>>) {add = true}
      %rem3A_313 = arith.constant 2 : i32
      %rem3A_314 = arith.remsi %add3A_282, %rem3A_313 : i32
      %eq3A_315 = arith.cmpi eq, %rem3A_314, %arg0 : i32
      %convert_element_type3A_316 = arith.extui %eq3A_315 : i1 to i32
      %cond3A_317 = arith.constant 0 : i32
      %cond3A_318 = arith.cmpi ne, %convert_element_type3A_316, %cond3A_317 : i32
      scf.if %cond3A_318 {
        %dma_start3A_395 = arith.constant 0 : i32
        %dma_start3A_396 = tpu.memref_slice %arg12[%add3A_282, %dma_start3A_395] : memref<250x80xi32, #tpu.memory_space<vmem>> -> memref<1x80xi32, #tpu.memory_space<vmem>>
        %dma_start3A_397 = tpu.memref_squeeze %dma_start3A_396 : memref<1x80xi32, #tpu.memory_space<vmem>> -> memref<80xi32, #tpu.memory_space<vmem>>
        %dma_start3A_398 = arith.constant 0 : i32
        %dma_start3A_399 = arith.constant 0 : i32
        %dma_start3A_400 = tpu.memref_slice %arg8[%dma_start3A_398, %dma_start3A_399] : memref<10240x16xf32, #tpu.memory_space<vmem_shared>> -> memref<10240x16xf32, #tpu.memory_space<vmem_shared>>
        tpu.enqueue_indirect_dma source(%arg14 : memref<80x16xf32, #tpu.memory_space<vmem>>) target(%dma_start3A_400 : memref<10240x16xf32, #tpu.memory_space<vmem_shared>>) offsets(%dma_start3A_397 : memref<80xi32, #tpu.memory_space<vmem>>) semaphore(%arg27 : memref<!tpu.dma_semaphore, #tpu.memory_space<semaphore_mem>>) {add = true}
      } else {
      }
      %add3A_319 = arith.constant 3 : i32
      %add3A_320 = arith.addi %mul3A_205, %add3A_319 : i32
      %add3A_321 = arith.constant 4 : i32
      %add3A_322 = arith.addi %add3A_320, %add3A_321 : i32
      %lt3A_323 = arith.constant 250 : i32
      %lt3A_324 = arith.cmpi slt, %add3A_322, %lt3A_323 : i32
      %convert_element_type3A_325 = arith.extui %lt3A_324 : i1 to i32
      %cond3A_326 = arith.constant 2 : i32
      %cond3A_327 = arith.constant 0 : i32
      %cond3A_328 = arith.cmpi ne, %convert_element_type3A_325, %cond3A_327 : i32
      scf.if %cond3A_328 {
        %ge3A = arith.constant 1 : i32
        %ge3A_395 = arith.cmpi sge, %add3A_320, %ge3A : i32
        %convert_element_type3A_396 = arith.extui %ge3A_395 : i1 to i32
        %cond3A_397 = arith.constant 0 : i32
        %cond3A_398 = arith.cmpi ne, %convert_element_type3A_396, %cond3A_397 : i32
        scf.if %cond3A_398 {
          %sub3A = arith.constant 1 : i32
          %sub3A_412 = arith.subi %add3A_320, %sub3A : i32
          %dma_wait3A_413 = arith.constant 0 : i32
          %dma_wait3A_414 = arith.constant 0 : i32
          %dma_wait3A_415 = tpu.memref_slice %arg13[%cond3A_326, %dma_wait3A_413, %dma_wait3A_414] : memref<5x80x64xf32, #tpu.memory_space<vmem>> -> memref<1x80x64xf32, #tpu.memory_space<vmem>>
          %dma_wait3A_416 = tpu.memref_squeeze %dma_wait3A_415 : memref<1x80x64xf32, #tpu.memory_space<vmem>> -> memref<80x64xf32, #tpu.memory_space<vmem>>
          %dma_wait3A_417 = arith.constant 0 : i32
          %dma_wait3A_418 = tpu.memref_slice %arg12[%sub3A_412, %dma_wait3A_417] : memref<250x80xi32, #tpu.memory_space<vmem>> -> memref<1x80xi32, #tpu.memory_space<vmem>>
          %dma_wait3A_419 = tpu.memref_squeeze %dma_wait3A_418 : memref<1x80xi32, #tpu.memory_space<vmem>> -> memref<80xi32, #tpu.memory_space<vmem>>
          %dma_wait3A_420 = arith.constant 0 : i32
          %dma_wait3A_421 = arith.constant 0 : i32
          %dma_wait3A_422 = tpu.memref_slice %arg7[%dma_wait3A_420, %dma_wait3A_421] : memref<10240x64xf32, #tpu.memory_space<vmem_shared>> -> memref<10240x64xf32, #tpu.memory_space<vmem_shared>>
          tpu.wait_indirect_dma semaphore(%arg22 : memref<!tpu.dma_semaphore, #tpu.memory_space<semaphore_mem>>) src(%dma_wait3A_416 : memref<80x64xf32, #tpu.memory_space<vmem>>) dst(%dma_wait3A_422 : memref<10240x64xf32, #tpu.memory_space<vmem_shared>>)
          %sub3A_423 = arith.constant 1 : i32
          %sub3A_424 = arith.subi %add3A_320, %sub3A_423 : i32
          %rem3A_425 = arith.constant 2 : i32
          %rem3A_426 = arith.remsi %sub3A_424, %rem3A_425 : i32
          %eq3A_427 = arith.cmpi eq, %rem3A_426, %arg0 : i32
          %convert_element_type3A_428 = arith.extui %eq3A_427 : i1 to i32
          %cond3A_429 = arith.constant 0 : i32
          %cond3A_430 = arith.cmpi ne, %convert_element_type3A_428, %cond3A_429 : i32
          scf.if %cond3A_430 {
            %sub3A_431 = arith.constant 1 : i32
            %sub3A_432 = arith.subi %add3A_320, %sub3A_431 : i32
            %dma_wait3A_433 = arith.constant 0 : i32
            %dma_wait3A_434 = tpu.memref_slice %arg12[%sub3A_432, %dma_wait3A_433] : memref<250x80xi32, #tpu.memory_space<vmem>> -> memref<1x80xi32, #tpu.memory_space<vmem>>
            %dma_wait3A_435 = tpu.memref_squeeze %dma_wait3A_434 : memref<1x80xi32, #tpu.memory_space<vmem>> -> memref<80xi32, #tpu.memory_space<vmem>>
            %dma_wait3A_436 = arith.constant 0 : i32
            %dma_wait3A_437 = arith.constant 0 : i32
            %dma_wait3A_438 = tpu.memref_slice %arg8[%dma_wait3A_436, %dma_wait3A_437] : memref<10240x16xf32, #tpu.memory_space<vmem_shared>> -> memref<10240x16xf32, #tpu.memory_space<vmem_shared>>
            tpu.wait_indirect_dma semaphore(%arg27 : memref<!tpu.dma_semaphore, #tpu.memory_space<semaphore_mem>>) src(%arg14 : memref<80x16xf32, #tpu.memory_space<vmem>>) dst(%dma_wait3A_438 : memref<10240x16xf32, #tpu.memory_space<vmem_shared>>)
          } else {
          }
        } else {
        }
        %add3A_399 = arith.constant 4 : i32
        %add3A_400 = arith.addi %add3A_320, %add3A_399 : i32
        %mul3A_401 = arith.constant 80 : i32
        %mul3A_402 = arith.muli %add3A_400, %mul3A_401 : i32
        %dma_start3A_403 = arith.constant 2 : i32
        %dma_start3A_404 = arith.constant 0 : i32
        %dma_start3A_405 = arith.constant 0 : i32
        %dma_start3A_406 = tpu.memref_slice %arg13[%dma_start3A_403, %dma_start3A_404, %dma_start3A_405] : memref<5x80x64xf32, #tpu.memory_space<vmem>> -> memref<1x80x64xf32, #tpu.memory_space<vmem>>
        %dma_start3A_407 = tpu.memref_squeeze %dma_start3A_406 : memref<1x80x64xf32, #tpu.memory_space<vmem>> -> memref<80x64xf32, #tpu.memory_space<vmem>>
        %dma_start3A_408 = tpu.memref_slice %arg11[%mul3A_402] : memref<20000xi32, #tpu.memory_space<vmem>> -> memref<80xi32, #tpu.memory_space<vmem>>
        %dma_start3A_409 = arith.constant 0 : i32
        %dma_start3A_410 = arith.constant 0 : i32
        %dma_start3A_411 = tpu.memref_slice %arg2[%dma_start3A_409, %dma_start3A_410] : memref<20000x64xf32, #tpu.memory_space<hbm>> -> memref<20000x64xf32, #tpu.memory_space<hbm>>
        tpu.enqueue_indirect_dma source(%dma_start3A_411 : memref<20000x64xf32, #tpu.memory_space<hbm>>) target(%dma_start3A_407 : memref<80x64xf32, #tpu.memory_space<vmem>>) offsets(%dma_start3A_408 : memref<80xi32, #tpu.memory_space<vmem>>) semaphore(%arg17 : memref<!tpu.dma_semaphore, #tpu.memory_space<semaphore_mem>>)
      } else {
      }
      %mul3A_329 = arith.constant 80 : i32
      %mul3A_330 = arith.muli %add3A_320, %mul3A_329 : i32
      %dma_wait3A_331 = arith.constant 3 : i32
      %dma_wait3A_332 = arith.constant 0 : i32
      %dma_wait3A_333 = arith.constant 0 : i32
      %dma_wait3A_334 = tpu.memref_slice %arg13[%dma_wait3A_331, %dma_wait3A_332, %dma_wait3A_333] : memref<5x80x64xf32, #tpu.memory_space<vmem>> -> memref<1x80x64xf32, #tpu.memory_space<vmem>>
      %dma_wait3A_335 = tpu.memref_squeeze %dma_wait3A_334 : memref<1x80x64xf32, #tpu.memory_space<vmem>> -> memref<80x64xf32, #tpu.memory_space<vmem>>
      %dma_wait3A_336 = tpu.memref_slice %arg11[%mul3A_330] : memref<20000xi32, #tpu.memory_space<vmem>> -> memref<80xi32, #tpu.memory_space<vmem>>
      %dma_wait3A_337 = arith.constant 0 : i32
      %dma_wait3A_338 = arith.constant 0 : i32
      %dma_wait3A_339 = tpu.memref_slice %arg2[%dma_wait3A_337, %dma_wait3A_338] : memref<20000x64xf32, #tpu.memory_space<hbm>> -> memref<20000x64xf32, #tpu.memory_space<hbm>>
      tpu.wait_indirect_dma semaphore(%arg18 : memref<!tpu.dma_semaphore, #tpu.memory_space<semaphore_mem>>) src(%dma_wait3A_339 : memref<20000x64xf32, #tpu.memory_space<hbm>>) dst(%dma_wait3A_335 : memref<80x64xf32, #tpu.memory_space<vmem>>)
      %dma_start3A_340 = arith.constant 3 : i32
      %dma_start3A_341 = arith.constant 0 : i32
      %dma_start3A_342 = arith.constant 0 : i32
      %dma_start3A_343 = tpu.memref_slice %arg13[%dma_start3A_340, %dma_start3A_341, %dma_start3A_342] : memref<5x80x64xf32, #tpu.memory_space<vmem>> -> memref<1x80x64xf32, #tpu.memory_space<vmem>>
      %dma_start3A_344 = tpu.memref_squeeze %dma_start3A_343 : memref<1x80x64xf32, #tpu.memory_space<vmem>> -> memref<80x64xf32, #tpu.memory_space<vmem>>
      %dma_start3A_345 = arith.constant 0 : i32
      %dma_start3A_346 = tpu.memref_slice %arg12[%add3A_320, %dma_start3A_345] : memref<250x80xi32, #tpu.memory_space<vmem>> -> memref<1x80xi32, #tpu.memory_space<vmem>>
      %dma_start3A_347 = tpu.memref_squeeze %dma_start3A_346 : memref<1x80xi32, #tpu.memory_space<vmem>> -> memref<80xi32, #tpu.memory_space<vmem>>
      %dma_start3A_348 = arith.constant 0 : i32
      %dma_start3A_349 = arith.constant 0 : i32
      %dma_start3A_350 = tpu.memref_slice %arg7[%dma_start3A_348, %dma_start3A_349] : memref<10240x64xf32, #tpu.memory_space<vmem_shared>> -> memref<10240x64xf32, #tpu.memory_space<vmem_shared>>
      tpu.enqueue_indirect_dma source(%dma_start3A_344 : memref<80x64xf32, #tpu.memory_space<vmem>>) target(%dma_start3A_350 : memref<10240x64xf32, #tpu.memory_space<vmem_shared>>) offsets(%dma_start3A_347 : memref<80xi32, #tpu.memory_space<vmem>>) semaphore(%arg23 : memref<!tpu.dma_semaphore, #tpu.memory_space<semaphore_mem>>) {add = true}
      %rem3A_351 = arith.constant 2 : i32
      %rem3A_352 = arith.remsi %add3A_320, %rem3A_351 : i32
      %eq3A_353 = arith.cmpi eq, %rem3A_352, %arg0 : i32
      %convert_element_type3A_354 = arith.extui %eq3A_353 : i1 to i32
      %cond3A_355 = arith.constant 0 : i32
      %cond3A_356 = arith.cmpi ne, %convert_element_type3A_354, %cond3A_355 : i32
      scf.if %cond3A_356 {
        %dma_start3A_395 = arith.constant 0 : i32
        %dma_start3A_396 = tpu.memref_slice %arg12[%add3A_320, %dma_start3A_395] : memref<250x80xi32, #tpu.memory_space<vmem>> -> memref<1x80xi32, #tpu.memory_space<vmem>>
        %dma_start3A_397 = tpu.memref_squeeze %dma_start3A_396 : memref<1x80xi32, #tpu.memory_space<vmem>> -> memref<80xi32, #tpu.memory_space<vmem>>
        %dma_start3A_398 = arith.constant 0 : i32
        %dma_start3A_399 = arith.constant 0 : i32
        %dma_start3A_400 = tpu.memref_slice %arg8[%dma_start3A_398, %dma_start3A_399] : memref<10240x16xf32, #tpu.memory_space<vmem_shared>> -> memref<10240x16xf32, #tpu.memory_space<vmem_shared>>
        tpu.enqueue_indirect_dma source(%arg14 : memref<80x16xf32, #tpu.memory_space<vmem>>) target(%dma_start3A_400 : memref<10240x16xf32, #tpu.memory_space<vmem_shared>>) offsets(%dma_start3A_397 : memref<80xi32, #tpu.memory_space<vmem>>) semaphore(%arg28 : memref<!tpu.dma_semaphore, #tpu.memory_space<semaphore_mem>>) {add = true}
      } else {
      }
      %add3A_357 = arith.constant 4 : i32
      %add3A_358 = arith.addi %mul3A_205, %add3A_357 : i32
      %add3A_359 = arith.constant 4 : i32
      %add3A_360 = arith.addi %add3A_358, %add3A_359 : i32
      %lt3A_361 = arith.constant 250 : i32
      %lt3A_362 = arith.cmpi slt, %add3A_360, %lt3A_361 : i32
      %convert_element_type3A_363 = arith.extui %lt3A_362 : i1 to i32
      %cond3A_364 = arith.constant 3 : i32
      %cond3A_365 = arith.constant 0 : i32
      %cond3A_366 = arith.cmpi ne, %convert_element_type3A_363, %cond3A_365 : i32
      scf.if %cond3A_366 {
        %ge3A = arith.constant 1 : i32
        %ge3A_395 = arith.cmpi sge, %add3A_358, %ge3A : i32
        %convert_element_type3A_396 = arith.extui %ge3A_395 : i1 to i32
        %cond3A_397 = arith.constant 0 : i32
        %cond3A_398 = arith.cmpi ne, %convert_element_type3A_396, %cond3A_397 : i32
        scf.if %cond3A_398 {
          %sub3A = arith.constant 1 : i32
          %sub3A_412 = arith.subi %add3A_358, %sub3A : i32
          %dma_wait3A_413 = arith.constant 0 : i32
          %dma_wait3A_414 = arith.constant 0 : i32
          %dma_wait3A_415 = tpu.memref_slice %arg13[%cond3A_364, %dma_wait3A_413, %dma_wait3A_414] : memref<5x80x64xf32, #tpu.memory_space<vmem>> -> memref<1x80x64xf32, #tpu.memory_space<vmem>>
          %dma_wait3A_416 = tpu.memref_squeeze %dma_wait3A_415 : memref<1x80x64xf32, #tpu.memory_space<vmem>> -> memref<80x64xf32, #tpu.memory_space<vmem>>
          %dma_wait3A_417 = arith.constant 0 : i32
          %dma_wait3A_418 = tpu.memref_slice %arg12[%sub3A_412, %dma_wait3A_417] : memref<250x80xi32, #tpu.memory_space<vmem>> -> memref<1x80xi32, #tpu.memory_space<vmem>>
          %dma_wait3A_419 = tpu.memref_squeeze %dma_wait3A_418 : memref<1x80xi32, #tpu.memory_space<vmem>> -> memref<80xi32, #tpu.memory_space<vmem>>
          %dma_wait3A_420 = arith.constant 0 : i32
          %dma_wait3A_421 = arith.constant 0 : i32
          %dma_wait3A_422 = tpu.memref_slice %arg7[%dma_wait3A_420, %dma_wait3A_421] : memref<10240x64xf32, #tpu.memory_space<vmem_shared>> -> memref<10240x64xf32, #tpu.memory_space<vmem_shared>>
          tpu.wait_indirect_dma semaphore(%arg23 : memref<!tpu.dma_semaphore, #tpu.memory_space<semaphore_mem>>) src(%dma_wait3A_416 : memref<80x64xf32, #tpu.memory_space<vmem>>) dst(%dma_wait3A_422 : memref<10240x64xf32, #tpu.memory_space<vmem_shared>>)
          %sub3A_423 = arith.constant 1 : i32
          %sub3A_424 = arith.subi %add3A_358, %sub3A_423 : i32
          %rem3A_425 = arith.constant 2 : i32
          %rem3A_426 = arith.remsi %sub3A_424, %rem3A_425 : i32
          %eq3A_427 = arith.cmpi eq, %rem3A_426, %arg0 : i32
          %convert_element_type3A_428 = arith.extui %eq3A_427 : i1 to i32
          %cond3A_429 = arith.constant 0 : i32
          %cond3A_430 = arith.cmpi ne, %convert_element_type3A_428, %cond3A_429 : i32
          scf.if %cond3A_430 {
            %sub3A_431 = arith.constant 1 : i32
            %sub3A_432 = arith.subi %add3A_358, %sub3A_431 : i32
            %dma_wait3A_433 = arith.constant 0 : i32
            %dma_wait3A_434 = tpu.memref_slice %arg12[%sub3A_432, %dma_wait3A_433] : memref<250x80xi32, #tpu.memory_space<vmem>> -> memref<1x80xi32, #tpu.memory_space<vmem>>
            %dma_wait3A_435 = tpu.memref_squeeze %dma_wait3A_434 : memref<1x80xi32, #tpu.memory_space<vmem>> -> memref<80xi32, #tpu.memory_space<vmem>>
            %dma_wait3A_436 = arith.constant 0 : i32
            %dma_wait3A_437 = arith.constant 0 : i32
            %dma_wait3A_438 = tpu.memref_slice %arg8[%dma_wait3A_436, %dma_wait3A_437] : memref<10240x16xf32, #tpu.memory_space<vmem_shared>> -> memref<10240x16xf32, #tpu.memory_space<vmem_shared>>
            tpu.wait_indirect_dma semaphore(%arg28 : memref<!tpu.dma_semaphore, #tpu.memory_space<semaphore_mem>>) src(%arg14 : memref<80x16xf32, #tpu.memory_space<vmem>>) dst(%dma_wait3A_438 : memref<10240x16xf32, #tpu.memory_space<vmem_shared>>)
          } else {
          }
        } else {
        }
        %add3A_399 = arith.constant 4 : i32
        %add3A_400 = arith.addi %add3A_358, %add3A_399 : i32
        %mul3A_401 = arith.constant 80 : i32
        %mul3A_402 = arith.muli %add3A_400, %mul3A_401 : i32
        %dma_start3A_403 = arith.constant 3 : i32
        %dma_start3A_404 = arith.constant 0 : i32
        %dma_start3A_405 = arith.constant 0 : i32
        %dma_start3A_406 = tpu.memref_slice %arg13[%dma_start3A_403, %dma_start3A_404, %dma_start3A_405] : memref<5x80x64xf32, #tpu.memory_space<vmem>> -> memref<1x80x64xf32, #tpu.memory_space<vmem>>
        %dma_start3A_407 = tpu.memref_squeeze %dma_start3A_406 : memref<1x80x64xf32, #tpu.memory_space<vmem>> -> memref<80x64xf32, #tpu.memory_space<vmem>>
        %dma_start3A_408 = tpu.memref_slice %arg11[%mul3A_402] : memref<20000xi32, #tpu.memory_space<vmem>> -> memref<80xi32, #tpu.memory_space<vmem>>
        %dma_start3A_409 = arith.constant 0 : i32
        %dma_start3A_410 = arith.constant 0 : i32
        %dma_start3A_411 = tpu.memref_slice %arg2[%dma_start3A_409, %dma_start3A_410] : memref<20000x64xf32, #tpu.memory_space<hbm>> -> memref<20000x64xf32, #tpu.memory_space<hbm>>
        tpu.enqueue_indirect_dma source(%dma_start3A_411 : memref<20000x64xf32, #tpu.memory_space<hbm>>) target(%dma_start3A_407 : memref<80x64xf32, #tpu.memory_space<vmem>>) offsets(%dma_start3A_408 : memref<80xi32, #tpu.memory_space<vmem>>) semaphore(%arg18 : memref<!tpu.dma_semaphore, #tpu.memory_space<semaphore_mem>>)
      } else {
      }
      %mul3A_367 = arith.constant 80 : i32
      %mul3A_368 = arith.muli %add3A_358, %mul3A_367 : i32
      %dma_wait3A_369 = arith.constant 4 : i32
      %dma_wait3A_370 = arith.constant 0 : i32
      %dma_wait3A_371 = arith.constant 0 : i32
      %dma_wait3A_372 = tpu.memref_slice %arg13[%dma_wait3A_369, %dma_wait3A_370, %dma_wait3A_371] : memref<5x80x64xf32, #tpu.memory_space<vmem>> -> memref<1x80x64xf32, #tpu.memory_space<vmem>>
      %dma_wait3A_373 = tpu.memref_squeeze %dma_wait3A_372 : memref<1x80x64xf32, #tpu.memory_space<vmem>> -> memref<80x64xf32, #tpu.memory_space<vmem>>
      %dma_wait3A_374 = tpu.memref_slice %arg11[%mul3A_368] : memref<20000xi32, #tpu.memory_space<vmem>> -> memref<80xi32, #tpu.memory_space<vmem>>
      %dma_wait3A_375 = arith.constant 0 : i32
      %dma_wait3A_376 = arith.constant 0 : i32
      %dma_wait3A_377 = tpu.memref_slice %arg2[%dma_wait3A_375, %dma_wait3A_376] : memref<20000x64xf32, #tpu.memory_space<hbm>> -> memref<20000x64xf32, #tpu.memory_space<hbm>>
      tpu.wait_indirect_dma semaphore(%arg19 : memref<!tpu.dma_semaphore, #tpu.memory_space<semaphore_mem>>) src(%dma_wait3A_377 : memref<20000x64xf32, #tpu.memory_space<hbm>>) dst(%dma_wait3A_373 : memref<80x64xf32, #tpu.memory_space<vmem>>)
      %dma_start3A_378 = arith.constant 4 : i32
      %dma_start3A_379 = arith.constant 0 : i32
      %dma_start3A_380 = arith.constant 0 : i32
      %dma_start3A_381 = tpu.memref_slice %arg13[%dma_start3A_378, %dma_start3A_379, %dma_start3A_380] : memref<5x80x64xf32, #tpu.memory_space<vmem>> -> memref<1x80x64xf32, #tpu.memory_space<vmem>>
      %dma_start3A_382 = tpu.memref_squeeze %dma_start3A_381 : memref<1x80x64xf32, #tpu.memory_space<vmem>> -> memref<80x64xf32, #tpu.memory_space<vmem>>
      %dma_start3A_383 = arith.constant 0 : i32
      %dma_start3A_384 = tpu.memref_slice %arg12[%add3A_358, %dma_start3A_383] : memref<250x80xi32, #tpu.memory_space<vmem>> -> memref<1x80xi32, #tpu.memory_space<vmem>>
      %dma_start3A_385 = tpu.memref_squeeze %dma_start3A_384 : memref<1x80xi32, #tpu.memory_space<vmem>> -> memref<80xi32, #tpu.memory_space<vmem>>
      %dma_start3A_386 = arith.constant 0 : i32
      %dma_start3A_387 = arith.constant 0 : i32
      %dma_start3A_388 = tpu.memref_slice %arg7[%dma_start3A_386, %dma_start3A_387] : memref<10240x64xf32, #tpu.memory_space<vmem_shared>> -> memref<10240x64xf32, #tpu.memory_space<vmem_shared>>
      tpu.enqueue_indirect_dma source(%dma_start3A_382 : memref<80x64xf32, #tpu.memory_space<vmem>>) target(%dma_start3A_388 : memref<10240x64xf32, #tpu.memory_space<vmem_shared>>) offsets(%dma_start3A_385 : memref<80xi32, #tpu.memory_space<vmem>>) semaphore(%arg24 : memref<!tpu.dma_semaphore, #tpu.memory_space<semaphore_mem>>) {add = true}
      %rem3A_389 = arith.constant 2 : i32
      %rem3A_390 = arith.remsi %add3A_358, %rem3A_389 : i32
      %eq3A_391 = arith.cmpi eq, %rem3A_390, %arg0 : i32
      %convert_element_type3A_392 = arith.extui %eq3A_391 : i1 to i32
      %cond3A_393 = arith.constant 0 : i32
      %cond3A_394 = arith.cmpi ne, %convert_element_type3A_392, %cond3A_393 : i32
      scf.if %cond3A_394 {
        %dma_start3A_395 = arith.constant 0 : i32
        %dma_start3A_396 = tpu.memref_slice %arg12[%add3A_358, %dma_start3A_395] : memref<250x80xi32, #tpu.memory_space<vmem>> -> memref<1x80xi32, #tpu.memory_space<vmem>>
        %dma_start3A_397 = tpu.memref_squeeze %dma_start3A_396 : memref<1x80xi32, #tpu.memory_space<vmem>> -> memref<80xi32, #tpu.memory_space<vmem>>
        %dma_start3A_398 = arith.constant 0 : i32
        %dma_start3A_399 = arith.constant 0 : i32
        %dma_start3A_400 = tpu.memref_slice %arg8[%dma_start3A_398, %dma_start3A_399] : memref<10240x16xf32, #tpu.memory_space<vmem_shared>> -> memref<10240x16xf32, #tpu.memory_space<vmem_shared>>
        tpu.enqueue_indirect_dma source(%arg14 : memref<80x16xf32, #tpu.memory_space<vmem>>) target(%dma_start3A_400 : memref<10240x16xf32, #tpu.memory_space<vmem_shared>>) offsets(%dma_start3A_397 : memref<80xi32, #tpu.memory_space<vmem>>) semaphore(%arg29 : memref<!tpu.dma_semaphore, #tpu.memory_space<semaphore_mem>>) {add = true}
      } else {
      }
    }
    %while3A_103 = arith.constant 1 : i32
    scf.for %while3A_203 = %while3A_101 to %while3A_97 step %while3A_103  : i32 {
      %mul3A_204 = arith.constant 5 : i32
      %mul3A_205 = arith.muli %while3A_203, %mul3A_204 : i32
      %add3A_206 = arith.constant 0 : i32
      %add3A_207 = arith.addi %mul3A_205, %add3A_206 : i32
      %add3A_208 = arith.constant 4 : i32
      %add3A_209 = arith.addi %add3A_207, %add3A_208 : i32
      %lt3A = arith.constant 250 : i32
      %lt3A_210 = arith.cmpi slt, %add3A_209, %lt3A : i32
      %convert_element_type3A_211 = arith.extui %lt3A_210 : i1 to i32
      %cond3A_212 = arith.constant 4 : i32
      %cond3A_213 = arith.constant 0 : i32
      %cond3A_214 = arith.cmpi ne, %convert_element_type3A_211, %cond3A_213 : i32
      scf.if %cond3A_214 {
        %ge3A = arith.constant 1 : i32
        %ge3A_395 = arith.cmpi sge, %add3A_207, %ge3A : i32
        %convert_element_type3A_396 = arith.extui %ge3A_395 : i1 to i32
        %cond3A_397 = arith.constant 0 : i32
        %cond3A_398 = arith.cmpi ne, %convert_element_type3A_396, %cond3A_397 : i32
        scf.if %cond3A_398 {
          %sub3A = arith.constant 1 : i32
          %sub3A_412 = arith.subi %add3A_207, %sub3A : i32
          %dma_wait3A_413 = arith.constant 0 : i32
          %dma_wait3A_414 = arith.constant 0 : i32
          %dma_wait3A_415 = tpu.memref_slice %arg13[%cond3A_212, %dma_wait3A_413, %dma_wait3A_414] : memref<5x80x64xf32, #tpu.memory_space<vmem>> -> memref<1x80x64xf32, #tpu.memory_space<vmem>>
          %dma_wait3A_416 = tpu.memref_squeeze %dma_wait3A_415 : memref<1x80x64xf32, #tpu.memory_space<vmem>> -> memref<80x64xf32, #tpu.memory_space<vmem>>
          %dma_wait3A_417 = arith.constant 0 : i32
          %dma_wait3A_418 = tpu.memref_slice %arg12[%sub3A_412, %dma_wait3A_417] : memref<250x80xi32, #tpu.memory_space<vmem>> -> memref<1x80xi32, #tpu.memory_space<vmem>>
          %dma_wait3A_419 = tpu.memref_squeeze %dma_wait3A_418 : memref<1x80xi32, #tpu.memory_space<vmem>> -> memref<80xi32, #tpu.memory_space<vmem>>
          %dma_wait3A_420 = arith.constant 0 : i32
          %dma_wait3A_421 = arith.constant 0 : i32
          %dma_wait3A_422 = tpu.memref_slice %arg7[%dma_wait3A_420, %dma_wait3A_421] : memref<10240x64xf32, #tpu.memory_space<vmem_shared>> -> memref<10240x64xf32, #tpu.memory_space<vmem_shared>>
          tpu.wait_indirect_dma semaphore(%arg24 : memref<!tpu.dma_semaphore, #tpu.memory_space<semaphore_mem>>) src(%dma_wait3A_416 : memref<80x64xf32, #tpu.memory_space<vmem>>) dst(%dma_wait3A_422 : memref<10240x64xf32, #tpu.memory_space<vmem_shared>>)
          %sub3A_423 = arith.constant 1 : i32
          %sub3A_424 = arith.subi %add3A_207, %sub3A_423 : i32
          %rem3A_425 = arith.constant 2 : i32
          %rem3A_426 = arith.remsi %sub3A_424, %rem3A_425 : i32
          %eq3A_427 = arith.cmpi eq, %rem3A_426, %arg0 : i32
          %convert_element_type3A_428 = arith.extui %eq3A_427 : i1 to i32
          %cond3A_429 = arith.constant 0 : i32
          %cond3A_430 = arith.cmpi ne, %convert_element_type3A_428, %cond3A_429 : i32
          scf.if %cond3A_430 {
            %sub3A_431 = arith.constant 1 : i32
            %sub3A_432 = arith.subi %add3A_207, %sub3A_431 : i32
            %dma_wait3A_433 = arith.constant 0 : i32
            %dma_wait3A_434 = tpu.memref_slice %arg12[%sub3A_432, %dma_wait3A_433] : memref<250x80xi32, #tpu.memory_space<vmem>> -> memref<1x80xi32, #tpu.memory_space<vmem>>
            %dma_wait3A_435 = tpu.memref_squeeze %dma_wait3A_434 : memref<1x80xi32, #tpu.memory_space<vmem>> -> memref<80xi32, #tpu.memory_space<vmem>>
            %dma_wait3A_436 = arith.constant 0 : i32
            %dma_wait3A_437 = arith.constant 0 : i32
            %dma_wait3A_438 = tpu.memref_slice %arg8[%dma_wait3A_436, %dma_wait3A_437] : memref<10240x16xf32, #tpu.memory_space<vmem_shared>> -> memref<10240x16xf32, #tpu.memory_space<vmem_shared>>
            tpu.wait_indirect_dma semaphore(%arg29 : memref<!tpu.dma_semaphore, #tpu.memory_space<semaphore_mem>>) src(%arg14 : memref<80x16xf32, #tpu.memory_space<vmem>>) dst(%dma_wait3A_438 : memref<10240x16xf32, #tpu.memory_space<vmem_shared>>)
          } else {
          }
        } else {
        }
        %add3A_399 = arith.constant 4 : i32
        %add3A_400 = arith.addi %add3A_207, %add3A_399 : i32
        %mul3A_401 = arith.constant 80 : i32
        %mul3A_402 = arith.muli %add3A_400, %mul3A_401 : i32
        %dma_start3A_403 = arith.constant 4 : i32
        %dma_start3A_404 = arith.constant 0 : i32
        %dma_start3A_405 = arith.constant 0 : i32
        %dma_start3A_406 = tpu.memref_slice %arg13[%dma_start3A_403, %dma_start3A_404, %dma_start3A_405] : memref<5x80x64xf32, #tpu.memory_space<vmem>> -> memref<1x80x64xf32, #tpu.memory_space<vmem>>
        %dma_start3A_407 = tpu.memref_squeeze %dma_start3A_406 : memref<1x80x64xf32, #tpu.memory_space<vmem>> -> memref<80x64xf32, #tpu.memory_space<vmem>>
        %dma_start3A_408 = tpu.memref_slice %arg11[%mul3A_402] : memref<20000xi32, #tpu.memory_space<vmem>> -> memref<80xi32, #tpu.memory_space<vmem>>
        %dma_start3A_409 = arith.constant 0 : i32
        %dma_start3A_410 = arith.constant 0 : i32
        %dma_start3A_411 = tpu.memref_slice %arg2[%dma_start3A_409, %dma_start3A_410] : memref<20000x64xf32, #tpu.memory_space<hbm>> -> memref<20000x64xf32, #tpu.memory_space<hbm>>
        tpu.enqueue_indirect_dma source(%dma_start3A_411 : memref<20000x64xf32, #tpu.memory_space<hbm>>) target(%dma_start3A_407 : memref<80x64xf32, #tpu.memory_space<vmem>>) offsets(%dma_start3A_408 : memref<80xi32, #tpu.memory_space<vmem>>) semaphore(%arg19 : memref<!tpu.dma_semaphore, #tpu.memory_space<semaphore_mem>>)
      } else {
      }
      %mul3A_215 = arith.constant 80 : i32
      %mul3A_216 = arith.muli %add3A_207, %mul3A_215 : i32
      %dma_wait3A_217 = arith.constant 0 : i32
      %dma_wait3A_218 = arith.constant 0 : i32
      %dma_wait3A_219 = arith.constant 0 : i32
      %dma_wait3A_220 = tpu.memref_slice %arg13[%dma_wait3A_217, %dma_wait3A_218, %dma_wait3A_219] : memref<5x80x64xf32, #tpu.memory_space<vmem>> -> memref<1x80x64xf32, #tpu.memory_space<vmem>>
      %dma_wait3A_221 = tpu.memref_squeeze %dma_wait3A_220 : memref<1x80x64xf32, #tpu.memory_space<vmem>> -> memref<80x64xf32, #tpu.memory_space<vmem>>
      %dma_wait3A_222 = tpu.memref_slice %arg11[%mul3A_216] : memref<20000xi32, #tpu.memory_space<vmem>> -> memref<80xi32, #tpu.memory_space<vmem>>
      %dma_wait3A_223 = arith.constant 0 : i32
      %dma_wait3A_224 = arith.constant 0 : i32
      %dma_wait3A_225 = tpu.memref_slice %arg2[%dma_wait3A_223, %dma_wait3A_224] : memref<20000x64xf32, #tpu.memory_space<hbm>> -> memref<20000x64xf32, #tpu.memory_space<hbm>>
      tpu.wait_indirect_dma semaphore(%arg15 : memref<!tpu.dma_semaphore, #tpu.memory_space<semaphore_mem>>) src(%dma_wait3A_225 : memref<20000x64xf32, #tpu.memory_space<hbm>>) dst(%dma_wait3A_221 : memref<80x64xf32, #tpu.memory_space<vmem>>)
      %dma_start3A_226 = arith.constant 0 : i32
      %dma_start3A_227 = arith.constant 0 : i32
      %dma_start3A_228 = arith.constant 0 : i32
      %dma_start3A_229 = tpu.memref_slice %arg13[%dma_start3A_226, %dma_start3A_227, %dma_start3A_228] : memref<5x80x64xf32, #tpu.memory_space<vmem>> -> memref<1x80x64xf32, #tpu.memory_space<vmem>>
      %dma_start3A_230 = tpu.memref_squeeze %dma_start3A_229 : memref<1x80x64xf32, #tpu.memory_space<vmem>> -> memref<80x64xf32, #tpu.memory_space<vmem>>
      %dma_start3A_231 = arith.constant 0 : i32
      %dma_start3A_232 = tpu.memref_slice %arg12[%add3A_207, %dma_start3A_231] : memref<250x80xi32, #tpu.memory_space<vmem>> -> memref<1x80xi32, #tpu.memory_space<vmem>>
      %dma_start3A_233 = tpu.memref_squeeze %dma_start3A_232 : memref<1x80xi32, #tpu.memory_space<vmem>> -> memref<80xi32, #tpu.memory_space<vmem>>
      %dma_start3A_234 = arith.constant 0 : i32
      %dma_start3A_235 = arith.constant 0 : i32
      %dma_start3A_236 = tpu.memref_slice %arg7[%dma_start3A_234, %dma_start3A_235] : memref<10240x64xf32, #tpu.memory_space<vmem_shared>> -> memref<10240x64xf32, #tpu.memory_space<vmem_shared>>
      tpu.enqueue_indirect_dma source(%dma_start3A_230 : memref<80x64xf32, #tpu.memory_space<vmem>>) target(%dma_start3A_236 : memref<10240x64xf32, #tpu.memory_space<vmem_shared>>) offsets(%dma_start3A_233 : memref<80xi32, #tpu.memory_space<vmem>>) semaphore(%arg20 : memref<!tpu.dma_semaphore, #tpu.memory_space<semaphore_mem>>) {add = true}
      %rem3A_237 = arith.constant 2 : i32
      %rem3A_238 = arith.remsi %add3A_207, %rem3A_237 : i32
      %eq3A_239 = arith.cmpi eq, %rem3A_238, %arg0 : i32
      %convert_element_type3A_240 = arith.extui %eq3A_239 : i1 to i32
      %cond3A_241 = arith.constant 0 : i32
      %cond3A_242 = arith.cmpi ne, %convert_element_type3A_240, %cond3A_241 : i32
      scf.if %cond3A_242 {
        %dma_start3A_395 = arith.constant 0 : i32
        %dma_start3A_396 = tpu.memref_slice %arg12[%add3A_207, %dma_start3A_395] : memref<250x80xi32, #tpu.memory_space<vmem>> -> memref<1x80xi32, #tpu.memory_space<vmem>>
        %dma_start3A_397 = tpu.memref_squeeze %dma_start3A_396 : memref<1x80xi32, #tpu.memory_space<vmem>> -> memref<80xi32, #tpu.memory_space<vmem>>
        %dma_start3A_398 = arith.constant 0 : i32
        %dma_start3A_399 = arith.constant 0 : i32
        %dma_start3A_400 = tpu.memref_slice %arg8[%dma_start3A_398, %dma_start3A_399] : memref<10240x16xf32, #tpu.memory_space<vmem_shared>> -> memref<10240x16xf32, #tpu.memory_space<vmem_shared>>
        tpu.enqueue_indirect_dma source(%arg14 : memref<80x16xf32, #tpu.memory_space<vmem>>) target(%dma_start3A_400 : memref<10240x16xf32, #tpu.memory_space<vmem_shared>>) offsets(%dma_start3A_397 : memref<80xi32, #tpu.memory_space<vmem>>) semaphore(%arg25 : memref<!tpu.dma_semaphore, #tpu.memory_space<semaphore_mem>>) {add = true}
      } else {
      }
      %add3A_243 = arith.constant 1 : i32
      %add3A_244 = arith.addi %mul3A_205, %add3A_243 : i32
      %add3A_245 = arith.constant 4 : i32
      %add3A_246 = arith.addi %add3A_244, %add3A_245 : i32
      %lt3A_247 = arith.constant 250 : i32
      %lt3A_248 = arith.cmpi slt, %add3A_246, %lt3A_247 : i32
      %convert_element_type3A_249 = arith.extui %lt3A_248 : i1 to i32
      %cond3A_250 = arith.constant 0 : i32
      %cond3A_251 = arith.constant 0 : i32
      %cond3A_252 = arith.cmpi ne, %convert_element_type3A_249, %cond3A_251 : i32
      scf.if %cond3A_252 {
        %ge3A = arith.constant 1 : i32
        %ge3A_395 = arith.cmpi sge, %add3A_244, %ge3A : i32
        %convert_element_type3A_396 = arith.extui %ge3A_395 : i1 to i32
        %cond3A_397 = arith.constant 0 : i32
        %cond3A_398 = arith.cmpi ne, %convert_element_type3A_396, %cond3A_397 : i32
        scf.if %cond3A_398 {
          %sub3A = arith.constant 1 : i32
          %sub3A_412 = arith.subi %add3A_244, %sub3A : i32
          %dma_wait3A_413 = arith.constant 0 : i32
          %dma_wait3A_414 = arith.constant 0 : i32
          %dma_wait3A_415 = tpu.memref_slice %arg13[%cond3A_250, %dma_wait3A_413, %dma_wait3A_414] : memref<5x80x64xf32, #tpu.memory_space<vmem>> -> memref<1x80x64xf32, #tpu.memory_space<vmem>>
          %dma_wait3A_416 = tpu.memref_squeeze %dma_wait3A_415 : memref<1x80x64xf32, #tpu.memory_space<vmem>> -> memref<80x64xf32, #tpu.memory_space<vmem>>
          %dma_wait3A_417 = arith.constant 0 : i32
          %dma_wait3A_418 = tpu.memref_slice %arg12[%sub3A_412, %dma_wait3A_417] : memref<250x80xi32, #tpu.memory_space<vmem>> -> memref<1x80xi32, #tpu.memory_space<vmem>>
          %dma_wait3A_419 = tpu.memref_squeeze %dma_wait3A_418 : memref<1x80xi32, #tpu.memory_space<vmem>> -> memref<80xi32, #tpu.memory_space<vmem>>
          %dma_wait3A_420 = arith.constant 0 : i32
          %dma_wait3A_421 = arith.constant 0 : i32
          %dma_wait3A_422 = tpu.memref_slice %arg7[%dma_wait3A_420, %dma_wait3A_421] : memref<10240x64xf32, #tpu.memory_space<vmem_shared>> -> memref<10240x64xf32, #tpu.memory_space<vmem_shared>>
          tpu.wait_indirect_dma semaphore(%arg20 : memref<!tpu.dma_semaphore, #tpu.memory_space<semaphore_mem>>) src(%dma_wait3A_416 : memref<80x64xf32, #tpu.memory_space<vmem>>) dst(%dma_wait3A_422 : memref<10240x64xf32, #tpu.memory_space<vmem_shared>>)
          %sub3A_423 = arith.constant 1 : i32
          %sub3A_424 = arith.subi %add3A_244, %sub3A_423 : i32
          %rem3A_425 = arith.constant 2 : i32
          %rem3A_426 = arith.remsi %sub3A_424, %rem3A_425 : i32
          %eq3A_427 = arith.cmpi eq, %rem3A_426, %arg0 : i32
          %convert_element_type3A_428 = arith.extui %eq3A_427 : i1 to i32
          %cond3A_429 = arith.constant 0 : i32
          %cond3A_430 = arith.cmpi ne, %convert_element_type3A_428, %cond3A_429 : i32
          scf.if %cond3A_430 {
            %sub3A_431 = arith.constant 1 : i32
            %sub3A_432 = arith.subi %add3A_244, %sub3A_431 : i32
            %dma_wait3A_433 = arith.constant 0 : i32
            %dma_wait3A_434 = tpu.memref_slice %arg12[%sub3A_432, %dma_wait3A_433] : memref<250x80xi32, #tpu.memory_space<vmem>> -> memref<1x80xi32, #tpu.memory_space<vmem>>
            %dma_wait3A_435 = tpu.memref_squeeze %dma_wait3A_434 : memref<1x80xi32, #tpu.memory_space<vmem>> -> memref<80xi32, #tpu.memory_space<vmem>>
            %dma_wait3A_436 = arith.constant 0 : i32
            %dma_wait3A_437 = arith.constant 0 : i32
            %dma_wait3A_438 = tpu.memref_slice %arg8[%dma_wait3A_436, %dma_wait3A_437] : memref<10240x16xf32, #tpu.memory_space<vmem_shared>> -> memref<10240x16xf32, #tpu.memory_space<vmem_shared>>
            tpu.wait_indirect_dma semaphore(%arg25 : memref<!tpu.dma_semaphore, #tpu.memory_space<semaphore_mem>>) src(%arg14 : memref<80x16xf32, #tpu.memory_space<vmem>>) dst(%dma_wait3A_438 : memref<10240x16xf32, #tpu.memory_space<vmem_shared>>)
          } else {
          }
        } else {
        }
        %add3A_399 = arith.constant 4 : i32
        %add3A_400 = arith.addi %add3A_244, %add3A_399 : i32
        %mul3A_401 = arith.constant 80 : i32
        %mul3A_402 = arith.muli %add3A_400, %mul3A_401 : i32
        %dma_start3A_403 = arith.constant 0 : i32
        %dma_start3A_404 = arith.constant 0 : i32
        %dma_start3A_405 = arith.constant 0 : i32
        %dma_start3A_406 = tpu.memref_slice %arg13[%dma_start3A_403, %dma_start3A_404, %dma_start3A_405] : memref<5x80x64xf32, #tpu.memory_space<vmem>> -> memref<1x80x64xf32, #tpu.memory_space<vmem>>
        %dma_start3A_407 = tpu.memref_squeeze %dma_start3A_406 : memref<1x80x64xf32, #tpu.memory_space<vmem>> -> memref<80x64xf32, #tpu.memory_space<vmem>>
        %dma_start3A_408 = tpu.memref_slice %arg11[%mul3A_402] : memref<20000xi32, #tpu.memory_space<vmem>> -> memref<80xi32, #tpu.memory_space<vmem>>
        %dma_start3A_409 = arith.constant 0 : i32
        %dma_start3A_410 = arith.constant 0 : i32
        %dma_start3A_411 = tpu.memref_slice %arg2[%dma_start3A_409, %dma_start3A_410] : memref<20000x64xf32, #tpu.memory_space<hbm>> -> memref<20000x64xf32, #tpu.memory_space<hbm>>
        tpu.enqueue_indirect_dma source(%dma_start3A_411 : memref<20000x64xf32, #tpu.memory_space<hbm>>) target(%dma_start3A_407 : memref<80x64xf32, #tpu.memory_space<vmem>>) offsets(%dma_start3A_408 : memref<80xi32, #tpu.memory_space<vmem>>) semaphore(%arg15 : memref<!tpu.dma_semaphore, #tpu.memory_space<semaphore_mem>>)
      } else {
      }
      %mul3A_253 = arith.constant 80 : i32
      %mul3A_254 = arith.muli %add3A_244, %mul3A_253 : i32
      %dma_wait3A_255 = arith.constant 1 : i32
      %dma_wait3A_256 = arith.constant 0 : i32
      %dma_wait3A_257 = arith.constant 0 : i32
      %dma_wait3A_258 = tpu.memref_slice %arg13[%dma_wait3A_255, %dma_wait3A_256, %dma_wait3A_257] : memref<5x80x64xf32, #tpu.memory_space<vmem>> -> memref<1x80x64xf32, #tpu.memory_space<vmem>>
      %dma_wait3A_259 = tpu.memref_squeeze %dma_wait3A_258 : memref<1x80x64xf32, #tpu.memory_space<vmem>> -> memref<80x64xf32, #tpu.memory_space<vmem>>
      %dma_wait3A_260 = tpu.memref_slice %arg11[%mul3A_254] : memref<20000xi32, #tpu.memory_space<vmem>> -> memref<80xi32, #tpu.memory_space<vmem>>
      %dma_wait3A_261 = arith.constant 0 : i32
      %dma_wait3A_262 = arith.constant 0 : i32
      %dma_wait3A_263 = tpu.memref_slice %arg2[%dma_wait3A_261, %dma_wait3A_262] : memref<20000x64xf32, #tpu.memory_space<hbm>> -> memref<20000x64xf32, #tpu.memory_space<hbm>>
      tpu.wait_indirect_dma semaphore(%arg16 : memref<!tpu.dma_semaphore, #tpu.memory_space<semaphore_mem>>) src(%dma_wait3A_263 : memref<20000x64xf32, #tpu.memory_space<hbm>>) dst(%dma_wait3A_259 : memref<80x64xf32, #tpu.memory_space<vmem>>)
      %dma_start3A_264 = arith.constant 1 : i32
      %dma_start3A_265 = arith.constant 0 : i32
      %dma_start3A_266 = arith.constant 0 : i32
      %dma_start3A_267 = tpu.memref_slice %arg13[%dma_start3A_264, %dma_start3A_265, %dma_start3A_266] : memref<5x80x64xf32, #tpu.memory_space<vmem>> -> memref<1x80x64xf32, #tpu.memory_space<vmem>>
      %dma_start3A_268 = tpu.memref_squeeze %dma_start3A_267 : memref<1x80x64xf32, #tpu.memory_space<vmem>> -> memref<80x64xf32, #tpu.memory_space<vmem>>
      %dma_start3A_269 = arith.constant 0 : i32
      %dma_start3A_270 = tpu.memref_slice %arg12[%add3A_244, %dma_start3A_269] : memref<250x80xi32, #tpu.memory_space<vmem>> -> memref<1x80xi32, #tpu.memory_space<vmem>>
      %dma_start3A_271 = tpu.memref_squeeze %dma_start3A_270 : memref<1x80xi32, #tpu.memory_space<vmem>> -> memref<80xi32, #tpu.memory_space<vmem>>
      %dma_start3A_272 = arith.constant 0 : i32
      %dma_start3A_273 = arith.constant 0 : i32
      %dma_start3A_274 = tpu.memref_slice %arg7[%dma_start3A_272, %dma_start3A_273] : memref<10240x64xf32, #tpu.memory_space<vmem_shared>> -> memref<10240x64xf32, #tpu.memory_space<vmem_shared>>
      tpu.enqueue_indirect_dma source(%dma_start3A_268 : memref<80x64xf32, #tpu.memory_space<vmem>>) target(%dma_start3A_274 : memref<10240x64xf32, #tpu.memory_space<vmem_shared>>) offsets(%dma_start3A_271 : memref<80xi32, #tpu.memory_space<vmem>>) semaphore(%arg21 : memref<!tpu.dma_semaphore, #tpu.memory_space<semaphore_mem>>) {add = true}
      %rem3A_275 = arith.constant 2 : i32
      %rem3A_276 = arith.remsi %add3A_244, %rem3A_275 : i32
      %eq3A_277 = arith.cmpi eq, %rem3A_276, %arg0 : i32
      %convert_element_type3A_278 = arith.extui %eq3A_277 : i1 to i32
      %cond3A_279 = arith.constant 0 : i32
      %cond3A_280 = arith.cmpi ne, %convert_element_type3A_278, %cond3A_279 : i32
      scf.if %cond3A_280 {
        %dma_start3A_395 = arith.constant 0 : i32
        %dma_start3A_396 = tpu.memref_slice %arg12[%add3A_244, %dma_start3A_395] : memref<250x80xi32, #tpu.memory_space<vmem>> -> memref<1x80xi32, #tpu.memory_space<vmem>>
        %dma_start3A_397 = tpu.memref_squeeze %dma_start3A_396 : memref<1x80xi32, #tpu.memory_space<vmem>> -> memref<80xi32, #tpu.memory_space<vmem>>
        %dma_start3A_398 = arith.constant 0 : i32
        %dma_start3A_399 = arith.constant 0 : i32
        %dma_start3A_400 = tpu.memref_slice %arg8[%dma_start3A_398, %dma_start3A_399] : memref<10240x16xf32, #tpu.memory_space<vmem_shared>> -> memref<10240x16xf32, #tpu.memory_space<vmem_shared>>
        tpu.enqueue_indirect_dma source(%arg14 : memref<80x16xf32, #tpu.memory_space<vmem>>) target(%dma_start3A_400 : memref<10240x16xf32, #tpu.memory_space<vmem_shared>>) offsets(%dma_start3A_397 : memref<80xi32, #tpu.memory_space<vmem>>) semaphore(%arg26 : memref<!tpu.dma_semaphore, #tpu.memory_space<semaphore_mem>>) {add = true}
      } else {
      }
      %add3A_281 = arith.constant 2 : i32
      %add3A_282 = arith.addi %mul3A_205, %add3A_281 : i32
      %add3A_283 = arith.constant 4 : i32
      %add3A_284 = arith.addi %add3A_282, %add3A_283 : i32
      %lt3A_285 = arith.constant 250 : i32
      %lt3A_286 = arith.cmpi slt, %add3A_284, %lt3A_285 : i32
      %convert_element_type3A_287 = arith.extui %lt3A_286 : i1 to i32
      %cond3A_288 = arith.constant 1 : i32
      %cond3A_289 = arith.constant 0 : i32
      %cond3A_290 = arith.cmpi ne, %convert_element_type3A_287, %cond3A_289 : i32
      scf.if %cond3A_290 {
        %ge3A = arith.constant 1 : i32
        %ge3A_395 = arith.cmpi sge, %add3A_282, %ge3A : i32
        %convert_element_type3A_396 = arith.extui %ge3A_395 : i1 to i32
        %cond3A_397 = arith.constant 0 : i32
        %cond3A_398 = arith.cmpi ne, %convert_element_type3A_396, %cond3A_397 : i32
        scf.if %cond3A_398 {
          %sub3A = arith.constant 1 : i32
          %sub3A_412 = arith.subi %add3A_282, %sub3A : i32
          %dma_wait3A_413 = arith.constant 0 : i32
          %dma_wait3A_414 = arith.constant 0 : i32
          %dma_wait3A_415 = tpu.memref_slice %arg13[%cond3A_288, %dma_wait3A_413, %dma_wait3A_414] : memref<5x80x64xf32, #tpu.memory_space<vmem>> -> memref<1x80x64xf32, #tpu.memory_space<vmem>>
          %dma_wait3A_416 = tpu.memref_squeeze %dma_wait3A_415 : memref<1x80x64xf32, #tpu.memory_space<vmem>> -> memref<80x64xf32, #tpu.memory_space<vmem>>
          %dma_wait3A_417 = arith.constant 0 : i32
          %dma_wait3A_418 = tpu.memref_slice %arg12[%sub3A_412, %dma_wait3A_417] : memref<250x80xi32, #tpu.memory_space<vmem>> -> memref<1x80xi32, #tpu.memory_space<vmem>>
          %dma_wait3A_419 = tpu.memref_squeeze %dma_wait3A_418 : memref<1x80xi32, #tpu.memory_space<vmem>> -> memref<80xi32, #tpu.memory_space<vmem>>
          %dma_wait3A_420 = arith.constant 0 : i32
          %dma_wait3A_421 = arith.constant 0 : i32
          %dma_wait3A_422 = tpu.memref_slice %arg7[%dma_wait3A_420, %dma_wait3A_421] : memref<10240x64xf32, #tpu.memory_space<vmem_shared>> -> memref<10240x64xf32, #tpu.memory_space<vmem_shared>>
          tpu.wait_indirect_dma semaphore(%arg21 : memref<!tpu.dma_semaphore, #tpu.memory_space<semaphore_mem>>) src(%dma_wait3A_416 : memref<80x64xf32, #tpu.memory_space<vmem>>) dst(%dma_wait3A_422 : memref<10240x64xf32, #tpu.memory_space<vmem_shared>>)
          %sub3A_423 = arith.constant 1 : i32
          %sub3A_424 = arith.subi %add3A_282, %sub3A_423 : i32
          %rem3A_425 = arith.constant 2 : i32
          %rem3A_426 = arith.remsi %sub3A_424, %rem3A_425 : i32
          %eq3A_427 = arith.cmpi eq, %rem3A_426, %arg0 : i32
          %convert_element_type3A_428 = arith.extui %eq3A_427 : i1 to i32
          %cond3A_429 = arith.constant 0 : i32
          %cond3A_430 = arith.cmpi ne, %convert_element_type3A_428, %cond3A_429 : i32
          scf.if %cond3A_430 {
            %sub3A_431 = arith.constant 1 : i32
            %sub3A_432 = arith.subi %add3A_282, %sub3A_431 : i32
            %dma_wait3A_433 = arith.constant 0 : i32
            %dma_wait3A_434 = tpu.memref_slice %arg12[%sub3A_432, %dma_wait3A_433] : memref<250x80xi32, #tpu.memory_space<vmem>> -> memref<1x80xi32, #tpu.memory_space<vmem>>
            %dma_wait3A_435 = tpu.memref_squeeze %dma_wait3A_434 : memref<1x80xi32, #tpu.memory_space<vmem>> -> memref<80xi32, #tpu.memory_space<vmem>>
            %dma_wait3A_436 = arith.constant 0 : i32
            %dma_wait3A_437 = arith.constant 0 : i32
            %dma_wait3A_438 = tpu.memref_slice %arg8[%dma_wait3A_436, %dma_wait3A_437] : memref<10240x16xf32, #tpu.memory_space<vmem_shared>> -> memref<10240x16xf32, #tpu.memory_space<vmem_shared>>
            tpu.wait_indirect_dma semaphore(%arg26 : memref<!tpu.dma_semaphore, #tpu.memory_space<semaphore_mem>>) src(%arg14 : memref<80x16xf32, #tpu.memory_space<vmem>>) dst(%dma_wait3A_438 : memref<10240x16xf32, #tpu.memory_space<vmem_shared>>)
          } else {
          }
        } else {
        }
        %add3A_399 = arith.constant 4 : i32
        %add3A_400 = arith.addi %add3A_282, %add3A_399 : i32
        %mul3A_401 = arith.constant 80 : i32
        %mul3A_402 = arith.muli %add3A_400, %mul3A_401 : i32
        %dma_start3A_403 = arith.constant 1 : i32
        %dma_start3A_404 = arith.constant 0 : i32
        %dma_start3A_405 = arith.constant 0 : i32
        %dma_start3A_406 = tpu.memref_slice %arg13[%dma_start3A_403, %dma_start3A_404, %dma_start3A_405] : memref<5x80x64xf32, #tpu.memory_space<vmem>> -> memref<1x80x64xf32, #tpu.memory_space<vmem>>
        %dma_start3A_407 = tpu.memref_squeeze %dma_start3A_406 : memref<1x80x64xf32, #tpu.memory_space<vmem>> -> memref<80x64xf32, #tpu.memory_space<vmem>>
        %dma_start3A_408 = tpu.memref_slice %arg11[%mul3A_402] : memref<20000xi32, #tpu.memory_space<vmem>> -> memref<80xi32, #tpu.memory_space<vmem>>
        %dma_start3A_409 = arith.constant 0 : i32
        %dma_start3A_410 = arith.constant 0 : i32
        %dma_start3A_411 = tpu.memref_slice %arg2[%dma_start3A_409, %dma_start3A_410] : memref<20000x64xf32, #tpu.memory_space<hbm>> -> memref<20000x64xf32, #tpu.memory_space<hbm>>
        tpu.enqueue_indirect_dma source(%dma_start3A_411 : memref<20000x64xf32, #tpu.memory_space<hbm>>) target(%dma_start3A_407 : memref<80x64xf32, #tpu.memory_space<vmem>>) offsets(%dma_start3A_408 : memref<80xi32, #tpu.memory_space<vmem>>) semaphore(%arg16 : memref<!tpu.dma_semaphore, #tpu.memory_space<semaphore_mem>>)
      } else {
      }
      %mul3A_291 = arith.constant 80 : i32
      %mul3A_292 = arith.muli %add3A_282, %mul3A_291 : i32
      %dma_wait3A_293 = arith.constant 2 : i32
      %dma_wait3A_294 = arith.constant 0 : i32
      %dma_wait3A_295 = arith.constant 0 : i32
      %dma_wait3A_296 = tpu.memref_slice %arg13[%dma_wait3A_293, %dma_wait3A_294, %dma_wait3A_295] : memref<5x80x64xf32, #tpu.memory_space<vmem>> -> memref<1x80x64xf32, #tpu.memory_space<vmem>>
      %dma_wait3A_297 = tpu.memref_squeeze %dma_wait3A_296 : memref<1x80x64xf32, #tpu.memory_space<vmem>> -> memref<80x64xf32, #tpu.memory_space<vmem>>
      %dma_wait3A_298 = tpu.memref_slice %arg11[%mul3A_292] : memref<20000xi32, #tpu.memory_space<vmem>> -> memref<80xi32, #tpu.memory_space<vmem>>
      %dma_wait3A_299 = arith.constant 0 : i32
      %dma_wait3A_300 = arith.constant 0 : i32
      %dma_wait3A_301 = tpu.memref_slice %arg2[%dma_wait3A_299, %dma_wait3A_300] : memref<20000x64xf32, #tpu.memory_space<hbm>> -> memref<20000x64xf32, #tpu.memory_space<hbm>>
      tpu.wait_indirect_dma semaphore(%arg17 : memref<!tpu.dma_semaphore, #tpu.memory_space<semaphore_mem>>) src(%dma_wait3A_301 : memref<20000x64xf32, #tpu.memory_space<hbm>>) dst(%dma_wait3A_297 : memref<80x64xf32, #tpu.memory_space<vmem>>)
      %dma_start3A_302 = arith.constant 2 : i32
      %dma_start3A_303 = arith.constant 0 : i32
      %dma_start3A_304 = arith.constant 0 : i32
      %dma_start3A_305 = tpu.memref_slice %arg13[%dma_start3A_302, %dma_start3A_303, %dma_start3A_304] : memref<5x80x64xf32, #tpu.memory_space<vmem>> -> memref<1x80x64xf32, #tpu.memory_space<vmem>>
      %dma_start3A_306 = tpu.memref_squeeze %dma_start3A_305 : memref<1x80x64xf32, #tpu.memory_space<vmem>> -> memref<80x64xf32, #tpu.memory_space<vmem>>
      %dma_start3A_307 = arith.constant 0 : i32
      %dma_start3A_308 = tpu.memref_slice %arg12[%add3A_282, %dma_start3A_307] : memref<250x80xi32, #tpu.memory_space<vmem>> -> memref<1x80xi32, #tpu.memory_space<vmem>>
      %dma_start3A_309 = tpu.memref_squeeze %dma_start3A_308 : memref<1x80xi32, #tpu.memory_space<vmem>> -> memref<80xi32, #tpu.memory_space<vmem>>
      %dma_start3A_310 = arith.constant 0 : i32
      %dma_start3A_311 = arith.constant 0 : i32
      %dma_start3A_312 = tpu.memref_slice %arg7[%dma_start3A_310, %dma_start3A_311] : memref<10240x64xf32, #tpu.memory_space<vmem_shared>> -> memref<10240x64xf32, #tpu.memory_space<vmem_shared>>
      tpu.enqueue_indirect_dma source(%dma_start3A_306 : memref<80x64xf32, #tpu.memory_space<vmem>>) target(%dma_start3A_312 : memref<10240x64xf32, #tpu.memory_space<vmem_shared>>) offsets(%dma_start3A_309 : memref<80xi32, #tpu.memory_space<vmem>>) semaphore(%arg22 : memref<!tpu.dma_semaphore, #tpu.memory_space<semaphore_mem>>) {add = true}
      %rem3A_313 = arith.constant 2 : i32
      %rem3A_314 = arith.remsi %add3A_282, %rem3A_313 : i32
      %eq3A_315 = arith.cmpi eq, %rem3A_314, %arg0 : i32
      %convert_element_type3A_316 = arith.extui %eq3A_315 : i1 to i32
      %cond3A_317 = arith.constant 0 : i32
      %cond3A_318 = arith.cmpi ne, %convert_element_type3A_316, %cond3A_317 : i32
      scf.if %cond3A_318 {
        %dma_start3A_395 = arith.constant 0 : i32
        %dma_start3A_396 = tpu.memref_slice %arg12[%add3A_282, %dma_start3A_395] : memref<250x80xi32, #tpu.memory_space<vmem>> -> memref<1x80xi32, #tpu.memory_space<vmem>>
        %dma_start3A_397 = tpu.memref_squeeze %dma_start3A_396 : memref<1x80xi32, #tpu.memory_space<vmem>> -> memref<80xi32, #tpu.memory_space<vmem>>
        %dma_start3A_398 = arith.constant 0 : i32
        %dma_start3A_399 = arith.constant 0 : i32
        %dma_start3A_400 = tpu.memref_slice %arg8[%dma_start3A_398, %dma_start3A_399] : memref<10240x16xf32, #tpu.memory_space<vmem_shared>> -> memref<10240x16xf32, #tpu.memory_space<vmem_shared>>
        tpu.enqueue_indirect_dma source(%arg14 : memref<80x16xf32, #tpu.memory_space<vmem>>) target(%dma_start3A_400 : memref<10240x16xf32, #tpu.memory_space<vmem_shared>>) offsets(%dma_start3A_397 : memref<80xi32, #tpu.memory_space<vmem>>) semaphore(%arg27 : memref<!tpu.dma_semaphore, #tpu.memory_space<semaphore_mem>>) {add = true}
      } else {
      }
      %add3A_319 = arith.constant 3 : i32
      %add3A_320 = arith.addi %mul3A_205, %add3A_319 : i32
      %add3A_321 = arith.constant 4 : i32
      %add3A_322 = arith.addi %add3A_320, %add3A_321 : i32
      %lt3A_323 = arith.constant 250 : i32
      %lt3A_324 = arith.cmpi slt, %add3A_322, %lt3A_323 : i32
      %convert_element_type3A_325 = arith.extui %lt3A_324 : i1 to i32
      %cond3A_326 = arith.constant 2 : i32
      %cond3A_327 = arith.constant 0 : i32
      %cond3A_328 = arith.cmpi ne, %convert_element_type3A_325, %cond3A_327 : i32
      scf.if %cond3A_328 {
        %ge3A = arith.constant 1 : i32
        %ge3A_395 = arith.cmpi sge, %add3A_320, %ge3A : i32
        %convert_element_type3A_396 = arith.extui %ge3A_395 : i1 to i32
        %cond3A_397 = arith.constant 0 : i32
        %cond3A_398 = arith.cmpi ne, %convert_element_type3A_396, %cond3A_397 : i32
        scf.if %cond3A_398 {
          %sub3A = arith.constant 1 : i32
          %sub3A_412 = arith.subi %add3A_320, %sub3A : i32
          %dma_wait3A_413 = arith.constant 0 : i32
          %dma_wait3A_414 = arith.constant 0 : i32
          %dma_wait3A_415 = tpu.memref_slice %arg13[%cond3A_326, %dma_wait3A_413, %dma_wait3A_414] : memref<5x80x64xf32, #tpu.memory_space<vmem>> -> memref<1x80x64xf32, #tpu.memory_space<vmem>>
          %dma_wait3A_416 = tpu.memref_squeeze %dma_wait3A_415 : memref<1x80x64xf32, #tpu.memory_space<vmem>> -> memref<80x64xf32, #tpu.memory_space<vmem>>
          %dma_wait3A_417 = arith.constant 0 : i32
          %dma_wait3A_418 = tpu.memref_slice %arg12[%sub3A_412, %dma_wait3A_417] : memref<250x80xi32, #tpu.memory_space<vmem>> -> memref<1x80xi32, #tpu.memory_space<vmem>>
          %dma_wait3A_419 = tpu.memref_squeeze %dma_wait3A_418 : memref<1x80xi32, #tpu.memory_space<vmem>> -> memref<80xi32, #tpu.memory_space<vmem>>
          %dma_wait3A_420 = arith.constant 0 : i32
          %dma_wait3A_421 = arith.constant 0 : i32
          %dma_wait3A_422 = tpu.memref_slice %arg7[%dma_wait3A_420, %dma_wait3A_421] : memref<10240x64xf32, #tpu.memory_space<vmem_shared>> -> memref<10240x64xf32, #tpu.memory_space<vmem_shared>>
          tpu.wait_indirect_dma semaphore(%arg22 : memref<!tpu.dma_semaphore, #tpu.memory_space<semaphore_mem>>) src(%dma_wait3A_416 : memref<80x64xf32, #tpu.memory_space<vmem>>) dst(%dma_wait3A_422 : memref<10240x64xf32, #tpu.memory_space<vmem_shared>>)
          %sub3A_423 = arith.constant 1 : i32
          %sub3A_424 = arith.subi %add3A_320, %sub3A_423 : i32
          %rem3A_425 = arith.constant 2 : i32
          %rem3A_426 = arith.remsi %sub3A_424, %rem3A_425 : i32
          %eq3A_427 = arith.cmpi eq, %rem3A_426, %arg0 : i32
          %convert_element_type3A_428 = arith.extui %eq3A_427 : i1 to i32
          %cond3A_429 = arith.constant 0 : i32
          %cond3A_430 = arith.cmpi ne, %convert_element_type3A_428, %cond3A_429 : i32
          scf.if %cond3A_430 {
            %sub3A_431 = arith.constant 1 : i32
            %sub3A_432 = arith.subi %add3A_320, %sub3A_431 : i32
            %dma_wait3A_433 = arith.constant 0 : i32
            %dma_wait3A_434 = tpu.memref_slice %arg12[%sub3A_432, %dma_wait3A_433] : memref<250x80xi32, #tpu.memory_space<vmem>> -> memref<1x80xi32, #tpu.memory_space<vmem>>
            %dma_wait3A_435 = tpu.memref_squeeze %dma_wait3A_434 : memref<1x80xi32, #tpu.memory_space<vmem>> -> memref<80xi32, #tpu.memory_space<vmem>>
            %dma_wait3A_436 = arith.constant 0 : i32
            %dma_wait3A_437 = arith.constant 0 : i32
            %dma_wait3A_438 = tpu.memref_slice %arg8[%dma_wait3A_436, %dma_wait3A_437] : memref<10240x16xf32, #tpu.memory_space<vmem_shared>> -> memref<10240x16xf32, #tpu.memory_space<vmem_shared>>
            tpu.wait_indirect_dma semaphore(%arg27 : memref<!tpu.dma_semaphore, #tpu.memory_space<semaphore_mem>>) src(%arg14 : memref<80x16xf32, #tpu.memory_space<vmem>>) dst(%dma_wait3A_438 : memref<10240x16xf32, #tpu.memory_space<vmem_shared>>)
          } else {
          }
        } else {
        }
        %add3A_399 = arith.constant 4 : i32
        %add3A_400 = arith.addi %add3A_320, %add3A_399 : i32
        %mul3A_401 = arith.constant 80 : i32
        %mul3A_402 = arith.muli %add3A_400, %mul3A_401 : i32
        %dma_start3A_403 = arith.constant 2 : i32
        %dma_start3A_404 = arith.constant 0 : i32
        %dma_start3A_405 = arith.constant 0 : i32
        %dma_start3A_406 = tpu.memref_slice %arg13[%dma_start3A_403, %dma_start3A_404, %dma_start3A_405] : memref<5x80x64xf32, #tpu.memory_space<vmem>> -> memref<1x80x64xf32, #tpu.memory_space<vmem>>
        %dma_start3A_407 = tpu.memref_squeeze %dma_start3A_406 : memref<1x80x64xf32, #tpu.memory_space<vmem>> -> memref<80x64xf32, #tpu.memory_space<vmem>>
        %dma_start3A_408 = tpu.memref_slice %arg11[%mul3A_402] : memref<20000xi32, #tpu.memory_space<vmem>> -> memref<80xi32, #tpu.memory_space<vmem>>
        %dma_start3A_409 = arith.constant 0 : i32
        %dma_start3A_410 = arith.constant 0 : i32
        %dma_start3A_411 = tpu.memref_slice %arg2[%dma_start3A_409, %dma_start3A_410] : memref<20000x64xf32, #tpu.memory_space<hbm>> -> memref<20000x64xf32, #tpu.memory_space<hbm>>
        tpu.enqueue_indirect_dma source(%dma_start3A_411 : memref<20000x64xf32, #tpu.memory_space<hbm>>) target(%dma_start3A_407 : memref<80x64xf32, #tpu.memory_space<vmem>>) offsets(%dma_start3A_408 : memref<80xi32, #tpu.memory_space<vmem>>) semaphore(%arg17 : memref<!tpu.dma_semaphore, #tpu.memory_space<semaphore_mem>>)
      } else {
      }
      %mul3A_329 = arith.constant 80 : i32
      %mul3A_330 = arith.muli %add3A_320, %mul3A_329 : i32
      %dma_wait3A_331 = arith.constant 3 : i32
      %dma_wait3A_332 = arith.constant 0 : i32
      %dma_wait3A_333 = arith.constant 0 : i32
      %dma_wait3A_334 = tpu.memref_slice %arg13[%dma_wait3A_331, %dma_wait3A_332, %dma_wait3A_333] : memref<5x80x64xf32, #tpu.memory_space<vmem>> -> memref<1x80x64xf32, #tpu.memory_space<vmem>>
      %dma_wait3A_335 = tpu.memref_squeeze %dma_wait3A_334 : memref<1x80x64xf32, #tpu.memory_space<vmem>> -> memref<80x64xf32, #tpu.memory_space<vmem>>
      %dma_wait3A_336 = tpu.memref_slice %arg11[%mul3A_330] : memref<20000xi32, #tpu.memory_space<vmem>> -> memref<80xi32, #tpu.memory_space<vmem>>
      %dma_wait3A_337 = arith.constant 0 : i32
      %dma_wait3A_338 = arith.constant 0 : i32
      %dma_wait3A_339 = tpu.memref_slice %arg2[%dma_wait3A_337, %dma_wait3A_338] : memref<20000x64xf32, #tpu.memory_space<hbm>> -> memref<20000x64xf32, #tpu.memory_space<hbm>>
      tpu.wait_indirect_dma semaphore(%arg18 : memref<!tpu.dma_semaphore, #tpu.memory_space<semaphore_mem>>) src(%dma_wait3A_339 : memref<20000x64xf32, #tpu.memory_space<hbm>>) dst(%dma_wait3A_335 : memref<80x64xf32, #tpu.memory_space<vmem>>)
      %dma_start3A_340 = arith.constant 3 : i32
      %dma_start3A_341 = arith.constant 0 : i32
      %dma_start3A_342 = arith.constant 0 : i32
      %dma_start3A_343 = tpu.memref_slice %arg13[%dma_start3A_340, %dma_start3A_341, %dma_start3A_342] : memref<5x80x64xf32, #tpu.memory_space<vmem>> -> memref<1x80x64xf32, #tpu.memory_space<vmem>>
      %dma_start3A_344 = tpu.memref_squeeze %dma_start3A_343 : memref<1x80x64xf32, #tpu.memory_space<vmem>> -> memref<80x64xf32, #tpu.memory_space<vmem>>
      %dma_start3A_345 = arith.constant 0 : i32
      %dma_start3A_346 = tpu.memref_slice %arg12[%add3A_320, %dma_start3A_345] : memref<250x80xi32, #tpu.memory_space<vmem>> -> memref<1x80xi32, #tpu.memory_space<vmem>>
      %dma_start3A_347 = tpu.memref_squeeze %dma_start3A_346 : memref<1x80xi32, #tpu.memory_space<vmem>> -> memref<80xi32, #tpu.memory_space<vmem>>
      %dma_start3A_348 = arith.constant 0 : i32
      %dma_start3A_349 = arith.constant 0 : i32
      %dma_start3A_350 = tpu.memref_slice %arg7[%dma_start3A_348, %dma_start3A_349] : memref<10240x64xf32, #tpu.memory_space<vmem_shared>> -> memref<10240x64xf32, #tpu.memory_space<vmem_shared>>
      tpu.enqueue_indirect_dma source(%dma_start3A_344 : memref<80x64xf32, #tpu.memory_space<vmem>>) target(%dma_start3A_350 : memref<10240x64xf32, #tpu.memory_space<vmem_shared>>) offsets(%dma_start3A_347 : memref<80xi32, #tpu.memory_space<vmem>>) semaphore(%arg23 : memref<!tpu.dma_semaphore, #tpu.memory_space<semaphore_mem>>) {add = true}
      %rem3A_351 = arith.constant 2 : i32
      %rem3A_352 = arith.remsi %add3A_320, %rem3A_351 : i32
      %eq3A_353 = arith.cmpi eq, %rem3A_352, %arg0 : i32
      %convert_element_type3A_354 = arith.extui %eq3A_353 : i1 to i32
      %cond3A_355 = arith.constant 0 : i32
      %cond3A_356 = arith.cmpi ne, %convert_element_type3A_354, %cond3A_355 : i32
      scf.if %cond3A_356 {
        %dma_start3A_395 = arith.constant 0 : i32
        %dma_start3A_396 = tpu.memref_slice %arg12[%add3A_320, %dma_start3A_395] : memref<250x80xi32, #tpu.memory_space<vmem>> -> memref<1x80xi32, #tpu.memory_space<vmem>>
        %dma_start3A_397 = tpu.memref_squeeze %dma_start3A_396 : memref<1x80xi32, #tpu.memory_space<vmem>> -> memref<80xi32, #tpu.memory_space<vmem>>
        %dma_start3A_398 = arith.constant 0 : i32
        %dma_start3A_399 = arith.constant 0 : i32
        %dma_start3A_400 = tpu.memref_slice %arg8[%dma_start3A_398, %dma_start3A_399] : memref<10240x16xf32, #tpu.memory_space<vmem_shared>> -> memref<10240x16xf32, #tpu.memory_space<vmem_shared>>
        tpu.enqueue_indirect_dma source(%arg14 : memref<80x16xf32, #tpu.memory_space<vmem>>) target(%dma_start3A_400 : memref<10240x16xf32, #tpu.memory_space<vmem_shared>>) offsets(%dma_start3A_397 : memref<80xi32, #tpu.memory_space<vmem>>) semaphore(%arg28 : memref<!tpu.dma_semaphore, #tpu.memory_space<semaphore_mem>>) {add = true}
      } else {
      }
      %add3A_357 = arith.constant 4 : i32
      %add3A_358 = arith.addi %mul3A_205, %add3A_357 : i32
      %add3A_359 = arith.constant 4 : i32
      %add3A_360 = arith.addi %add3A_358, %add3A_359 : i32
      %lt3A_361 = arith.constant 250 : i32
      %lt3A_362 = arith.cmpi slt, %add3A_360, %lt3A_361 : i32
      %convert_element_type3A_363 = arith.extui %lt3A_362 : i1 to i32
      %cond3A_364 = arith.constant 3 : i32
      %cond3A_365 = arith.constant 0 : i32
      %cond3A_366 = arith.cmpi ne, %convert_element_type3A_363, %cond3A_365 : i32
      scf.if %cond3A_366 {
        %ge3A = arith.constant 1 : i32
        %ge3A_395 = arith.cmpi sge, %add3A_358, %ge3A : i32
        %convert_element_type3A_396 = arith.extui %ge3A_395 : i1 to i32
        %cond3A_397 = arith.constant 0 : i32
        %cond3A_398 = arith.cmpi ne, %convert_element_type3A_396, %cond3A_397 : i32
        scf.if %cond3A_398 {
          %sub3A = arith.constant 1 : i32
          %sub3A_412 = arith.subi %add3A_358, %sub3A : i32
          %dma_wait3A_413 = arith.constant 0 : i32
          %dma_wait3A_414 = arith.constant 0 : i32
          %dma_wait3A_415 = tpu.memref_slice %arg13[%cond3A_364, %dma_wait3A_413, %dma_wait3A_414] : memref<5x80x64xf32, #tpu.memory_space<vmem>> -> memref<1x80x64xf32, #tpu.memory_space<vmem>>
          %dma_wait3A_416 = tpu.memref_squeeze %dma_wait3A_415 : memref<1x80x64xf32, #tpu.memory_space<vmem>> -> memref<80x64xf32, #tpu.memory_space<vmem>>
          %dma_wait3A_417 = arith.constant 0 : i32
          %dma_wait3A_418 = tpu.memref_slice %arg12[%sub3A_412, %dma_wait3A_417] : memref<250x80xi32, #tpu.memory_space<vmem>> -> memref<1x80xi32, #tpu.memory_space<vmem>>
          %dma_wait3A_419 = tpu.memref_squeeze %dma_wait3A_418 : memref<1x80xi32, #tpu.memory_space<vmem>> -> memref<80xi32, #tpu.memory_space<vmem>>
          %dma_wait3A_420 = arith.constant 0 : i32
          %dma_wait3A_421 = arith.constant 0 : i32
          %dma_wait3A_422 = tpu.memref_slice %arg7[%dma_wait3A_420, %dma_wait3A_421] : memref<10240x64xf32, #tpu.memory_space<vmem_shared>> -> memref<10240x64xf32, #tpu.memory_space<vmem_shared>>
          tpu.wait_indirect_dma semaphore(%arg23 : memref<!tpu.dma_semaphore, #tpu.memory_space<semaphore_mem>>) src(%dma_wait3A_416 : memref<80x64xf32, #tpu.memory_space<vmem>>) dst(%dma_wait3A_422 : memref<10240x64xf32, #tpu.memory_space<vmem_shared>>)
          %sub3A_423 = arith.constant 1 : i32
          %sub3A_424 = arith.subi %add3A_358, %sub3A_423 : i32
          %rem3A_425 = arith.constant 2 : i32
          %rem3A_426 = arith.remsi %sub3A_424, %rem3A_425 : i32
          %eq3A_427 = arith.cmpi eq, %rem3A_426, %arg0 : i32
          %convert_element_type3A_428 = arith.extui %eq3A_427 : i1 to i32
          %cond3A_429 = arith.constant 0 : i32
          %cond3A_430 = arith.cmpi ne, %convert_element_type3A_428, %cond3A_429 : i32
          scf.if %cond3A_430 {
            %sub3A_431 = arith.constant 1 : i32
            %sub3A_432 = arith.subi %add3A_358, %sub3A_431 : i32
            %dma_wait3A_433 = arith.constant 0 : i32
            %dma_wait3A_434 = tpu.memref_slice %arg12[%sub3A_432, %dma_wait3A_433] : memref<250x80xi32, #tpu.memory_space<vmem>> -> memref<1x80xi32, #tpu.memory_space<vmem>>
            %dma_wait3A_435 = tpu.memref_squeeze %dma_wait3A_434 : memref<1x80xi32, #tpu.memory_space<vmem>> -> memref<80xi32, #tpu.memory_space<vmem>>
            %dma_wait3A_436 = arith.constant 0 : i32
            %dma_wait3A_437 = arith.constant 0 : i32
            %dma_wait3A_438 = tpu.memref_slice %arg8[%dma_wait3A_436, %dma_wait3A_437] : memref<10240x16xf32, #tpu.memory_space<vmem_shared>> -> memref<10240x16xf32, #tpu.memory_space<vmem_shared>>
            tpu.wait_indirect_dma semaphore(%arg28 : memref<!tpu.dma_semaphore, #tpu.memory_space<semaphore_mem>>) src(%arg14 : memref<80x16xf32, #tpu.memory_space<vmem>>) dst(%dma_wait3A_438 : memref<10240x16xf32, #tpu.memory_space<vmem_shared>>)
          } else {
          }
        } else {
        }
        %add3A_399 = arith.constant 4 : i32
        %add3A_400 = arith.addi %add3A_358, %add3A_399 : i32
        %mul3A_401 = arith.constant 80 : i32
        %mul3A_402 = arith.muli %add3A_400, %mul3A_401 : i32
        %dma_start3A_403 = arith.constant 3 : i32
        %dma_start3A_404 = arith.constant 0 : i32
        %dma_start3A_405 = arith.constant 0 : i32
        %dma_start3A_406 = tpu.memref_slice %arg13[%dma_start3A_403, %dma_start3A_404, %dma_start3A_405] : memref<5x80x64xf32, #tpu.memory_space<vmem>> -> memref<1x80x64xf32, #tpu.memory_space<vmem>>
        %dma_start3A_407 = tpu.memref_squeeze %dma_start3A_406 : memref<1x80x64xf32, #tpu.memory_space<vmem>> -> memref<80x64xf32, #tpu.memory_space<vmem>>
        %dma_start3A_408 = tpu.memref_slice %arg11[%mul3A_402] : memref<20000xi32, #tpu.memory_space<vmem>> -> memref<80xi32, #tpu.memory_space<vmem>>
        %dma_start3A_409 = arith.constant 0 : i32
        %dma_start3A_410 = arith.constant 0 : i32
        %dma_start3A_411 = tpu.memref_slice %arg2[%dma_start3A_409, %dma_start3A_410] : memref<20000x64xf32, #tpu.memory_space<hbm>> -> memref<20000x64xf32, #tpu.memory_space<hbm>>
        tpu.enqueue_indirect_dma source(%dma_start3A_411 : memref<20000x64xf32, #tpu.memory_space<hbm>>) target(%dma_start3A_407 : memref<80x64xf32, #tpu.memory_space<vmem>>) offsets(%dma_start3A_408 : memref<80xi32, #tpu.memory_space<vmem>>) semaphore(%arg18 : memref<!tpu.dma_semaphore, #tpu.memory_space<semaphore_mem>>)
      } else {
      }
      %mul3A_367 = arith.constant 80 : i32
      %mul3A_368 = arith.muli %add3A_358, %mul3A_367 : i32
      %dma_wait3A_369 = arith.constant 4 : i32
      %dma_wait3A_370 = arith.constant 0 : i32
      %dma_wait3A_371 = arith.constant 0 : i32
      %dma_wait3A_372 = tpu.memref_slice %arg13[%dma_wait3A_369, %dma_wait3A_370, %dma_wait3A_371] : memref<5x80x64xf32, #tpu.memory_space<vmem>> -> memref<1x80x64xf32, #tpu.memory_space<vmem>>
      %dma_wait3A_373 = tpu.memref_squeeze %dma_wait3A_372 : memref<1x80x64xf32, #tpu.memory_space<vmem>> -> memref<80x64xf32, #tpu.memory_space<vmem>>
      %dma_wait3A_374 = tpu.memref_slice %arg11[%mul3A_368] : memref<20000xi32, #tpu.memory_space<vmem>> -> memref<80xi32, #tpu.memory_space<vmem>>
      %dma_wait3A_375 = arith.constant 0 : i32
      %dma_wait3A_376 = arith.constant 0 : i32
      %dma_wait3A_377 = tpu.memref_slice %arg2[%dma_wait3A_375, %dma_wait3A_376] : memref<20000x64xf32, #tpu.memory_space<hbm>> -> memref<20000x64xf32, #tpu.memory_space<hbm>>
      tpu.wait_indirect_dma semaphore(%arg19 : memref<!tpu.dma_semaphore, #tpu.memory_space<semaphore_mem>>) src(%dma_wait3A_377 : memref<20000x64xf32, #tpu.memory_space<hbm>>) dst(%dma_wait3A_373 : memref<80x64xf32, #tpu.memory_space<vmem>>)
      %dma_start3A_378 = arith.constant 4 : i32
      %dma_start3A_379 = arith.constant 0 : i32
      %dma_start3A_380 = arith.constant 0 : i32
      %dma_start3A_381 = tpu.memref_slice %arg13[%dma_start3A_378, %dma_start3A_379, %dma_start3A_380] : memref<5x80x64xf32, #tpu.memory_space<vmem>> -> memref<1x80x64xf32, #tpu.memory_space<vmem>>
      %dma_start3A_382 = tpu.memref_squeeze %dma_start3A_381 : memref<1x80x64xf32, #tpu.memory_space<vmem>> -> memref<80x64xf32, #tpu.memory_space<vmem>>
      %dma_start3A_383 = arith.constant 0 : i32
      %dma_start3A_384 = tpu.memref_slice %arg12[%add3A_358, %dma_start3A_383] : memref<250x80xi32, #tpu.memory_space<vmem>> -> memref<1x80xi32, #tpu.memory_space<vmem>>
      %dma_start3A_385 = tpu.memref_squeeze %dma_start3A_384 : memref<1x80xi32, #tpu.memory_space<vmem>> -> memref<80xi32, #tpu.memory_space<vmem>>
      %dma_start3A_386 = arith.constant 0 : i32
      %dma_start3A_387 = arith.constant 0 : i32
      %dma_start3A_388 = tpu.memref_slice %arg7[%dma_start3A_386, %dma_start3A_387] : memref<10240x64xf32, #tpu.memory_space<vmem_shared>> -> memref<10240x64xf32, #tpu.memory_space<vmem_shared>>
      tpu.enqueue_indirect_dma source(%dma_start3A_382 : memref<80x64xf32, #tpu.memory_space<vmem>>) target(%dma_start3A_388 : memref<10240x64xf32, #tpu.memory_space<vmem_shared>>) offsets(%dma_start3A_385 : memref<80xi32, #tpu.memory_space<vmem>>) semaphore(%arg24 : memref<!tpu.dma_semaphore, #tpu.memory_space<semaphore_mem>>) {add = true}
      %rem3A_389 = arith.constant 2 : i32
      %rem3A_390 = arith.remsi %add3A_358, %rem3A_389 : i32
      %eq3A_391 = arith.cmpi eq, %rem3A_390, %arg0 : i32
      %convert_element_type3A_392 = arith.extui %eq3A_391 : i1 to i32
      %cond3A_393 = arith.constant 0 : i32
      %cond3A_394 = arith.cmpi ne, %convert_element_type3A_392, %cond3A_393 : i32
      scf.if %cond3A_394 {
        %dma_start3A_395 = arith.constant 0 : i32
        %dma_start3A_396 = tpu.memref_slice %arg12[%add3A_358, %dma_start3A_395] : memref<250x80xi32, #tpu.memory_space<vmem>> -> memref<1x80xi32, #tpu.memory_space<vmem>>
        %dma_start3A_397 = tpu.memref_squeeze %dma_start3A_396 : memref<1x80xi32, #tpu.memory_space<vmem>> -> memref<80xi32, #tpu.memory_space<vmem>>
        %dma_start3A_398 = arith.constant 0 : i32
        %dma_start3A_399 = arith.constant 0 : i32
        %dma_start3A_400 = tpu.memref_slice %arg8[%dma_start3A_398, %dma_start3A_399] : memref<10240x16xf32, #tpu.memory_space<vmem_shared>> -> memref<10240x16xf32, #tpu.memory_space<vmem_shared>>
        tpu.enqueue_indirect_dma source(%arg14 : memref<80x16xf32, #tpu.memory_space<vmem>>) target(%dma_start3A_400 : memref<10240x16xf32, #tpu.memory_space<vmem_shared>>) offsets(%dma_start3A_397 : memref<80xi32, #tpu.memory_space<vmem>>) semaphore(%arg29 : memref<!tpu.dma_semaphore, #tpu.memory_space<semaphore_mem>>) {add = true}
      } else {
      }
    }
    %dma_wait3A = arith.constant 0 : i32
    %dma_wait3A_104 = arith.constant 245 : i32
    %dma_wait3A_105 = arith.constant 0 : i32
    %dma_wait3A_106 = arith.constant 0 : i32
    %dma_wait3A_107 = tpu.memref_slice %arg13[%dma_wait3A, %dma_wait3A_105, %dma_wait3A_106] : memref<5x80x64xf32, #tpu.memory_space<vmem>> -> memref<1x80x64xf32, #tpu.memory_space<vmem>>
    %dma_wait3A_108 = tpu.memref_squeeze %dma_wait3A_107 : memref<1x80x64xf32, #tpu.memory_space<vmem>> -> memref<80x64xf32, #tpu.memory_space<vmem>>
    %dma_wait3A_109 = arith.constant 0 : i32
    %dma_wait3A_110 = tpu.memref_slice %arg12[%dma_wait3A_104, %dma_wait3A_109] : memref<250x80xi32, #tpu.memory_space<vmem>> -> memref<1x80xi32, #tpu.memory_space<vmem>>
    %dma_wait3A_111 = tpu.memref_squeeze %dma_wait3A_110 : memref<1x80xi32, #tpu.memory_space<vmem>> -> memref<80xi32, #tpu.memory_space<vmem>>
    %dma_wait3A_112 = arith.constant 0 : i32
    %dma_wait3A_113 = arith.constant 0 : i32
    %dma_wait3A_114 = tpu.memref_slice %arg7[%dma_wait3A_112, %dma_wait3A_113] : memref<10240x64xf32, #tpu.memory_space<vmem_shared>> -> memref<10240x64xf32, #tpu.memory_space<vmem_shared>>
    tpu.wait_indirect_dma semaphore(%arg20 : memref<!tpu.dma_semaphore, #tpu.memory_space<semaphore_mem>>) src(%dma_wait3A_108 : memref<80x64xf32, #tpu.memory_space<vmem>>) dst(%dma_wait3A_114 : memref<10240x64xf32, #tpu.memory_space<vmem_shared>>)
    %rem3A = arith.constant 245 : i32
    %rem3A_115 = arith.constant 2 : i32
    %rem3A_116 = arith.remsi %rem3A, %rem3A_115 : i32
    %eq3A = arith.cmpi eq, %rem3A_116, %arg0 : i32
    %convert_element_type3A = arith.extui %eq3A : i1 to i32
    %cond3A = arith.constant 245 : i32
    %cond3A_117 = arith.constant 0 : i32
    %cond3A_118 = arith.cmpi ne, %convert_element_type3A, %cond3A_117 : i32
    scf.if %cond3A_118 {
      %dma_wait3A_203 = arith.constant 0 : i32
      %dma_wait3A_204 = tpu.memref_slice %arg12[%cond3A, %dma_wait3A_203] : memref<250x80xi32, #tpu.memory_space<vmem>> -> memref<1x80xi32, #tpu.memory_space<vmem>>
      %dma_wait3A_205 = tpu.memref_squeeze %dma_wait3A_204 : memref<1x80xi32, #tpu.memory_space<vmem>> -> memref<80xi32, #tpu.memory_space<vmem>>
      %dma_wait3A_206 = arith.constant 0 : i32
      %dma_wait3A_207 = arith.constant 0 : i32
      %dma_wait3A_208 = tpu.memref_slice %arg8[%dma_wait3A_206, %dma_wait3A_207] : memref<10240x16xf32, #tpu.memory_space<vmem_shared>> -> memref<10240x16xf32, #tpu.memory_space<vmem_shared>>
      tpu.wait_indirect_dma semaphore(%arg25 : memref<!tpu.dma_semaphore, #tpu.memory_space<semaphore_mem>>) src(%arg14 : memref<80x16xf32, #tpu.memory_space<vmem>>) dst(%dma_wait3A_208 : memref<10240x16xf32, #tpu.memory_space<vmem_shared>>)
    } else {
    }
    %dma_wait3A_119 = arith.constant 1 : i32
    %dma_wait3A_120 = arith.constant 246 : i32
    %dma_wait3A_121 = arith.constant 0 : i32
    %dma_wait3A_122 = arith.constant 0 : i32
    %dma_wait3A_123 = tpu.memref_slice %arg13[%dma_wait3A_119, %dma_wait3A_121, %dma_wait3A_122] : memref<5x80x64xf32, #tpu.memory_space<vmem>> -> memref<1x80x64xf32, #tpu.memory_space<vmem>>
    %dma_wait3A_124 = tpu.memref_squeeze %dma_wait3A_123 : memref<1x80x64xf32, #tpu.memory_space<vmem>> -> memref<80x64xf32, #tpu.memory_space<vmem>>
    %dma_wait3A_125 = arith.constant 0 : i32
    %dma_wait3A_126 = tpu.memref_slice %arg12[%dma_wait3A_120, %dma_wait3A_125] : memref<250x80xi32, #tpu.memory_space<vmem>> -> memref<1x80xi32, #tpu.memory_space<vmem>>
    %dma_wait3A_127 = tpu.memref_squeeze %dma_wait3A_126 : memref<1x80xi32, #tpu.memory_space<vmem>> -> memref<80xi32, #tpu.memory_space<vmem>>
    %dma_wait3A_128 = arith.constant 0 : i32
    %dma_wait3A_129 = arith.constant 0 : i32
    %dma_wait3A_130 = tpu.memref_slice %arg7[%dma_wait3A_128, %dma_wait3A_129] : memref<10240x64xf32, #tpu.memory_space<vmem_shared>> -> memref<10240x64xf32, #tpu.memory_space<vmem_shared>>
    tpu.wait_indirect_dma semaphore(%arg21 : memref<!tpu.dma_semaphore, #tpu.memory_space<semaphore_mem>>) src(%dma_wait3A_124 : memref<80x64xf32, #tpu.memory_space<vmem>>) dst(%dma_wait3A_130 : memref<10240x64xf32, #tpu.memory_space<vmem_shared>>)
    %rem3A_131 = arith.constant 246 : i32
    %rem3A_132 = arith.constant 2 : i32
    %rem3A_133 = arith.remsi %rem3A_131, %rem3A_132 : i32
    %eq3A_134 = arith.cmpi eq, %rem3A_133, %arg0 : i32
    %convert_element_type3A_135 = arith.extui %eq3A_134 : i1 to i32
    %cond3A_136 = arith.constant 246 : i32
    %cond3A_137 = arith.constant 0 : i32
    %cond3A_138 = arith.cmpi ne, %convert_element_type3A_135, %cond3A_137 : i32
    scf.if %cond3A_138 {
      %dma_wait3A_203 = arith.constant 0 : i32
      %dma_wait3A_204 = tpu.memref_slice %arg12[%cond3A_136, %dma_wait3A_203] : memref<250x80xi32, #tpu.memory_space<vmem>> -> memref<1x80xi32, #tpu.memory_space<vmem>>
      %dma_wait3A_205 = tpu.memref_squeeze %dma_wait3A_204 : memref<1x80xi32, #tpu.memory_space<vmem>> -> memref<80xi32, #tpu.memory_space<vmem>>
      %dma_wait3A_206 = arith.constant 0 : i32
      %dma_wait3A_207 = arith.constant 0 : i32
      %dma_wait3A_208 = tpu.memref_slice %arg8[%dma_wait3A_206, %dma_wait3A_207] : memref<10240x16xf32, #tpu.memory_space<vmem_shared>> -> memref<10240x16xf32, #tpu.memory_space<vmem_shared>>
      tpu.wait_indirect_dma semaphore(%arg26 : memref<!tpu.dma_semaphore, #tpu.memory_space<semaphore_mem>>) src(%arg14 : memref<80x16xf32, #tpu.memory_space<vmem>>) dst(%dma_wait3A_208 : memref<10240x16xf32, #tpu.memory_space<vmem_shared>>)
    } else {
    }
    %dma_wait3A_139 = arith.constant 2 : i32
    %dma_wait3A_140 = arith.constant 247 : i32
    %dma_wait3A_141 = arith.constant 0 : i32
    %dma_wait3A_142 = arith.constant 0 : i32
    %dma_wait3A_143 = tpu.memref_slice %arg13[%dma_wait3A_139, %dma_wait3A_141, %dma_wait3A_142] : memref<5x80x64xf32, #tpu.memory_space<vmem>> -> memref<1x80x64xf32, #tpu.memory_space<vmem>>
    %dma_wait3A_144 = tpu.memref_squeeze %dma_wait3A_143 : memref<1x80x64xf32, #tpu.memory_space<vmem>> -> memref<80x64xf32, #tpu.memory_space<vmem>>
    %dma_wait3A_145 = arith.constant 0 : i32
    %dma_wait3A_146 = tpu.memref_slice %arg12[%dma_wait3A_140, %dma_wait3A_145] : memref<250x80xi32, #tpu.memory_space<vmem>> -> memref<1x80xi32, #tpu.memory_space<vmem>>
    %dma_wait3A_147 = tpu.memref_squeeze %dma_wait3A_146 : memref<1x80xi32, #tpu.memory_space<vmem>> -> memref<80xi32, #tpu.memory_space<vmem>>
    %dma_wait3A_148 = arith.constant 0 : i32
    %dma_wait3A_149 = arith.constant 0 : i32
    %dma_wait3A_150 = tpu.memref_slice %arg7[%dma_wait3A_148, %dma_wait3A_149] : memref<10240x64xf32, #tpu.memory_space<vmem_shared>> -> memref<10240x64xf32, #tpu.memory_space<vmem_shared>>
    tpu.wait_indirect_dma semaphore(%arg22 : memref<!tpu.dma_semaphore, #tpu.memory_space<semaphore_mem>>) src(%dma_wait3A_144 : memref<80x64xf32, #tpu.memory_space<vmem>>) dst(%dma_wait3A_150 : memref<10240x64xf32, #tpu.memory_space<vmem_shared>>)
    %rem3A_151 = arith.constant 247 : i32
    %rem3A_152 = arith.constant 2 : i32
    %rem3A_153 = arith.remsi %rem3A_151, %rem3A_152 : i32
    %eq3A_154 = arith.cmpi eq, %rem3A_153, %arg0 : i32
    %convert_element_type3A_155 = arith.extui %eq3A_154 : i1 to i32
    %cond3A_156 = arith.constant 247 : i32
    %cond3A_157 = arith.constant 0 : i32
    %cond3A_158 = arith.cmpi ne, %convert_element_type3A_155, %cond3A_157 : i32
    scf.if %cond3A_158 {
      %dma_wait3A_203 = arith.constant 0 : i32
      %dma_wait3A_204 = tpu.memref_slice %arg12[%cond3A_156, %dma_wait3A_203] : memref<250x80xi32, #tpu.memory_space<vmem>> -> memref<1x80xi32, #tpu.memory_space<vmem>>
      %dma_wait3A_205 = tpu.memref_squeeze %dma_wait3A_204 : memref<1x80xi32, #tpu.memory_space<vmem>> -> memref<80xi32, #tpu.memory_space<vmem>>
      %dma_wait3A_206 = arith.constant 0 : i32
      %dma_wait3A_207 = arith.constant 0 : i32
      %dma_wait3A_208 = tpu.memref_slice %arg8[%dma_wait3A_206, %dma_wait3A_207] : memref<10240x16xf32, #tpu.memory_space<vmem_shared>> -> memref<10240x16xf32, #tpu.memory_space<vmem_shared>>
      tpu.wait_indirect_dma semaphore(%arg27 : memref<!tpu.dma_semaphore, #tpu.memory_space<semaphore_mem>>) src(%arg14 : memref<80x16xf32, #tpu.memory_space<vmem>>) dst(%dma_wait3A_208 : memref<10240x16xf32, #tpu.memory_space<vmem_shared>>)
    } else {
    }
    %dma_wait3A_159 = arith.constant 3 : i32
    %dma_wait3A_160 = arith.constant 248 : i32
    %dma_wait3A_161 = arith.constant 0 : i32
    %dma_wait3A_162 = arith.constant 0 : i32
    %dma_wait3A_163 = tpu.memref_slice %arg13[%dma_wait3A_159, %dma_wait3A_161, %dma_wait3A_162] : memref<5x80x64xf32, #tpu.memory_space<vmem>> -> memref<1x80x64xf32, #tpu.memory_space<vmem>>
    %dma_wait3A_164 = tpu.memref_squeeze %dma_wait3A_163 : memref<1x80x64xf32, #tpu.memory_space<vmem>> -> memref<80x64xf32, #tpu.memory_space<vmem>>
    %dma_wait3A_165 = arith.constant 0 : i32
    %dma_wait3A_166 = tpu.memref_slice %arg12[%dma_wait3A_160, %dma_wait3A_165] : memref<250x80xi32, #tpu.memory_space<vmem>> -> memref<1x80xi32, #tpu.memory_space<vmem>>
    %dma_wait3A_167 = tpu.memref_squeeze %dma_wait3A_166 : memref<1x80xi32, #tpu.memory_space<vmem>> -> memref<80xi32, #tpu.memory_space<vmem>>
    %dma_wait3A_168 = arith.constant 0 : i32
    %dma_wait3A_169 = arith.constant 0 : i32
    %dma_wait3A_170 = tpu.memref_slice %arg7[%dma_wait3A_168, %dma_wait3A_169] : memref<10240x64xf32, #tpu.memory_space<vmem_shared>> -> memref<10240x64xf32, #tpu.memory_space<vmem_shared>>
    tpu.wait_indirect_dma semaphore(%arg23 : memref<!tpu.dma_semaphore, #tpu.memory_space<semaphore_mem>>) src(%dma_wait3A_164 : memref<80x64xf32, #tpu.memory_space<vmem>>) dst(%dma_wait3A_170 : memref<10240x64xf32, #tpu.memory_space<vmem_shared>>)
    %rem3A_171 = arith.constant 248 : i32
    %rem3A_172 = arith.constant 2 : i32
    %rem3A_173 = arith.remsi %rem3A_171, %rem3A_172 : i32
    %eq3A_174 = arith.cmpi eq, %rem3A_173, %arg0 : i32
    %convert_element_type3A_175 = arith.extui %eq3A_174 : i1 to i32
    %cond3A_176 = arith.constant 248 : i32
    %cond3A_177 = arith.constant 0 : i32
    %cond3A_178 = arith.cmpi ne, %convert_element_type3A_175, %cond3A_177 : i32
    scf.if %cond3A_178 {
      %dma_wait3A_203 = arith.constant 0 : i32
      %dma_wait3A_204 = tpu.memref_slice %arg12[%cond3A_176, %dma_wait3A_203] : memref<250x80xi32, #tpu.memory_space<vmem>> -> memref<1x80xi32, #tpu.memory_space<vmem>>
      %dma_wait3A_205 = tpu.memref_squeeze %dma_wait3A_204 : memref<1x80xi32, #tpu.memory_space<vmem>> -> memref<80xi32, #tpu.memory_space<vmem>>
      %dma_wait3A_206 = arith.constant 0 : i32
      %dma_wait3A_207 = arith.constant 0 : i32
      %dma_wait3A_208 = tpu.memref_slice %arg8[%dma_wait3A_206, %dma_wait3A_207] : memref<10240x16xf32, #tpu.memory_space<vmem_shared>> -> memref<10240x16xf32, #tpu.memory_space<vmem_shared>>
      tpu.wait_indirect_dma semaphore(%arg28 : memref<!tpu.dma_semaphore, #tpu.memory_space<semaphore_mem>>) src(%arg14 : memref<80x16xf32, #tpu.memory_space<vmem>>) dst(%dma_wait3A_208 : memref<10240x16xf32, #tpu.memory_space<vmem_shared>>)
    } else {
    }
    %dma_wait3A_179 = arith.constant 4 : i32
    %dma_wait3A_180 = arith.constant 249 : i32
    %dma_wait3A_181 = arith.constant 0 : i32
    %dma_wait3A_182 = arith.constant 0 : i32
    %dma_wait3A_183 = tpu.memref_slice %arg13[%dma_wait3A_179, %dma_wait3A_181, %dma_wait3A_182] : memref<5x80x64xf32, #tpu.memory_space<vmem>> -> memref<1x80x64xf32, #tpu.memory_space<vmem>>
    %dma_wait3A_184 = tpu.memref_squeeze %dma_wait3A_183 : memref<1x80x64xf32, #tpu.memory_space<vmem>> -> memref<80x64xf32, #tpu.memory_space<vmem>>
    %dma_wait3A_185 = arith.constant 0 : i32
    %dma_wait3A_186 = tpu.memref_slice %arg12[%dma_wait3A_180, %dma_wait3A_185] : memref<250x80xi32, #tpu.memory_space<vmem>> -> memref<1x80xi32, #tpu.memory_space<vmem>>
    %dma_wait3A_187 = tpu.memref_squeeze %dma_wait3A_186 : memref<1x80xi32, #tpu.memory_space<vmem>> -> memref<80xi32, #tpu.memory_space<vmem>>
    %dma_wait3A_188 = arith.constant 0 : i32
    %dma_wait3A_189 = arith.constant 0 : i32
    %dma_wait3A_190 = tpu.memref_slice %arg7[%dma_wait3A_188, %dma_wait3A_189] : memref<10240x64xf32, #tpu.memory_space<vmem_shared>> -> memref<10240x64xf32, #tpu.memory_space<vmem_shared>>
    tpu.wait_indirect_dma semaphore(%arg24 : memref<!tpu.dma_semaphore, #tpu.memory_space<semaphore_mem>>) src(%dma_wait3A_184 : memref<80x64xf32, #tpu.memory_space<vmem>>) dst(%dma_wait3A_190 : memref<10240x64xf32, #tpu.memory_space<vmem_shared>>)
    %rem3A_191 = arith.constant 249 : i32
    %rem3A_192 = arith.constant 2 : i32
    %rem3A_193 = arith.remsi %rem3A_191, %rem3A_192 : i32
    %eq3A_194 = arith.cmpi eq, %rem3A_193, %arg0 : i32
    %convert_element_type3A_195 = arith.extui %eq3A_194 : i1 to i32
    %cond3A_196 = arith.constant 249 : i32
    %cond3A_197 = arith.constant 0 : i32
    %cond3A_198 = arith.cmpi ne, %convert_element_type3A_195, %cond3A_197 : i32
    scf.if %cond3A_198 {
      %dma_wait3A_203 = arith.constant 0 : i32
      %dma_wait3A_204 = tpu.memref_slice %arg12[%cond3A_196, %dma_wait3A_203] : memref<250x80xi32, #tpu.memory_space<vmem>> -> memref<1x80xi32, #tpu.memory_space<vmem>>
      %dma_wait3A_205 = tpu.memref_squeeze %dma_wait3A_204 : memref<1x80xi32, #tpu.memory_space<vmem>> -> memref<80xi32, #tpu.memory_space<vmem>>
      %dma_wait3A_206 = arith.constant 0 : i32
      %dma_wait3A_207 = arith.constant 0 : i32
      %dma_wait3A_208 = tpu.memref_slice %arg8[%dma_wait3A_206, %dma_wait3A_207] : memref<10240x16xf32, #tpu.memory_space<vmem_shared>> -> memref<10240x16xf32, #tpu.memory_space<vmem_shared>>
      tpu.wait_indirect_dma semaphore(%arg29 : memref<!tpu.dma_semaphore, #tpu.memory_space<semaphore_mem>>) src(%arg14 : memref<80x16xf32, #tpu.memory_space<vmem>>) dst(%dma_wait3A_208 : memref<10240x16xf32, #tpu.memory_space<vmem_shared>>)
    } else {
    }
    %barrier3A_199 = arith.constant 0 : index
    tpu.barrier barrier_id(%barrier3A_199)
    %mul3A_200 = arith.constant 10240 : i32
    %mul3A_201 = arith.muli %arg0, %mul3A_200 : i32
    %add3A_202 = arith.addi %mul3A_201, %mul3A_0 : i32
    "tpu.region"() ({
      %run_scoped3A = tpu.sem_alloc : memref<!tpu.dma_semaphore, #tpu.memory_space<semaphore_mem>>
      %dma_start3A_203 = arith.constant 0 : i32
      %dma_start3A_204 = tpu.memref_slice %arg5[%add3A_202, %dma_start3A_203] : memref<20480x64xf32, #tpu.memory_space<hbm>> -> memref<640x64xf32, #tpu.memory_space<hbm>>
      %dma_start3A_205 = arith.constant 0 : i32
      %dma_start3A_206 = tpu.memref_slice %arg7[%mul3A_0, %dma_start3A_205] : memref<10240x64xf32, #tpu.memory_space<vmem_shared>> -> memref<640x64xf32, #tpu.memory_space<vmem_shared>>
      tpu.enqueue_dma source(%dma_start3A_206 : memref<640x64xf32, #tpu.memory_space<vmem_shared>>) target(%dma_start3A_204 : memref<640x64xf32, #tpu.memory_space<hbm>>) target_semaphore(%run_scoped3A : memref<!tpu.dma_semaphore, #tpu.memory_space<semaphore_mem>>)
      %dma_wait3A_207 = arith.constant 0 : i32
      %dma_wait3A_208 = tpu.memref_slice %arg5[%add3A_202, %dma_wait3A_207] : memref<20480x64xf32, #tpu.memory_space<hbm>> -> memref<640x64xf32, #tpu.memory_space<hbm>>
      %dma_wait3A_209 = arith.constant 0 : i32
      %dma_wait3A_210 = tpu.memref_slice %arg7[%mul3A_0, %dma_wait3A_209] : memref<10240x64xf32, #tpu.memory_space<vmem_shared>> -> memref<640x64xf32, #tpu.memory_space<vmem_shared>>
      tpu.wait_dma2 semaphore(%run_scoped3A : memref<!tpu.dma_semaphore, #tpu.memory_space<semaphore_mem>>) src(%dma_wait3A_210 : memref<640x64xf32, #tpu.memory_space<vmem_shared>>) dst(%dma_wait3A_208 : memref<640x64xf32, #tpu.memory_space<hbm>>)
      tpu.yield
    }) : () -> ()
    "tpu.region"() ({
      %run_scoped3A = tpu.sem_alloc : memref<!tpu.dma_semaphore, #tpu.memory_space<semaphore_mem>>
      %dma_start3A_203 = arith.constant 0 : i32
      %dma_start3A_204 = tpu.memref_slice %arg6[%add3A_202, %dma_start3A_203] : memref<20480x16xf32, #tpu.memory_space<hbm>> -> memref<640x16xf32, #tpu.memory_space<hbm>>
      %dma_start3A_205 = arith.constant 0 : i32
      %dma_start3A_206 = tpu.memref_slice %arg8[%mul3A_0, %dma_start3A_205] : memref<10240x16xf32, #tpu.memory_space<vmem_shared>> -> memref<640x16xf32, #tpu.memory_space<vmem_shared>>
      tpu.enqueue_dma source(%dma_start3A_206 : memref<640x16xf32, #tpu.memory_space<vmem_shared>>) target(%dma_start3A_204 : memref<640x16xf32, #tpu.memory_space<hbm>>) target_semaphore(%run_scoped3A : memref<!tpu.dma_semaphore, #tpu.memory_space<semaphore_mem>>)
      %dma_wait3A_207 = arith.constant 0 : i32
      %dma_wait3A_208 = tpu.memref_slice %arg6[%add3A_202, %dma_wait3A_207] : memref<20480x16xf32, #tpu.memory_space<hbm>> -> memref<640x16xf32, #tpu.memory_space<hbm>>
      %dma_wait3A_209 = arith.constant 0 : i32
      %dma_wait3A_210 = tpu.memref_slice %arg8[%mul3A_0, %dma_wait3A_209] : memref<10240x16xf32, #tpu.memory_space<vmem_shared>> -> memref<640x16xf32, #tpu.memory_space<vmem_shared>>
      tpu.wait_dma2 semaphore(%run_scoped3A : memref<!tpu.dma_semaphore, #tpu.memory_space<semaphore_mem>>) src(%dma_wait3A_210 : memref<640x16xf32, #tpu.memory_space<vmem_shared>>) dst(%dma_wait3A_208 : memref<640x16xf32, #tpu.memory_space<hbm>>)
      tpu.yield
    }) : () -> ()
    return
  }
}

module attributes {stable_mosaic.version = 14 : i64} {
  func.func @_tc_body(%arg0: memref<10000x128xf32, #tpu.memory_space<vmem>>, %arg1: memref<20480x64xf32, #tpu.memory_space<vmem>>, %arg2: memref<20480x16xf32, #tpu.memory_space<vmem>>, %arg3: memref<128x128xf32, #tpu.memory_space<vmem>>, %arg4: memref<128x128xf32, #tpu.memory_space<vmem>>, %arg5: memref<1x128xf32, #tpu.memory_space<vmem>>, %arg6: memref<1x128xf32, #tpu.memory_space<vmem>>, %arg7: memref<1x128xf32, #tpu.memory_space<vmem>>, %arg8: memref<10000x128xf32, #tpu.memory_space<vmem>>) attributes {dimension_semantics = [], scalar_prefetch = 0 : i64, scratch_operands = 0 : i64, tpu.core_type = #tpu.core_type<tc>} {
    %get3A = arith.constant 0 : index
    %get3A_0 = arith.constant 0 : index
    %get3A_1 = vector.load %arg1[%get3A, %get3A_0] : memref<20480x64xf32, #tpu.memory_space<vmem>>, vector<10000x64xf32>
    %get3A_2 = arith.constant 10240 : index
    %get3A_3 = arith.constant 0 : index
    %get3A_4 = vector.load %arg1[%get3A_2, %get3A_3] : memref<20480x64xf32, #tpu.memory_space<vmem>>, vector<10000x64xf32>
    %concatenate3A = tpu.concatenate %get3A_1, %get3A_4 in 1 : vector<10000x64xf32>, vector<10000x64xf32> -> vector<10000x128xf32>
    %get3A_5 = arith.constant 0 : index
    %get3A_6 = arith.constant 0 : index
    %get3A_7 = vector.load %arg2[%get3A_5, %get3A_6] : memref<20480x16xf32, #tpu.memory_space<vmem>>, vector<10000x1xf32>
    %get3A_8 = arith.constant 10240 : index
    %get3A_9 = arith.constant 0 : index
    %get3A_10 = vector.load %arg2[%get3A_8, %get3A_9] : memref<20480x16xf32, #tpu.memory_space<vmem>>, vector<10000x1xf32>
    %add3A = arith.addf %get3A_7, %get3A_10 : vector<10000x1xf32>
    %max3A = arith.constant 1.000000e+00 : f32
    %max3A_11 = vector.broadcast %max3A : f32 to vector<10000x1xf32>
    %max3A_12 = arith.maximumf %add3A, %max3A_11 : vector<10000x1xf32>
    %div3A = vector.broadcast %max3A_12 : vector<10000x1xf32> to vector<10000x128xf32>
    %div3A_13 = arith.divf %concatenate3A, %div3A : vector<10000x128xf32>
    %get3A_14 = arith.constant 0 : index
    %get3A_15 = arith.constant 0 : index
    %get3A_16 = vector.load %arg3[%get3A_14, %get3A_15] : memref<128x128xf32, #tpu.memory_space<vmem>>, vector<128x128xf32>
    %dot_general3A = arith.constant dense<0.000000e+00> : vector<10000x128xf32>
    %dot_general3A_17 = tpu.matmul %div3A_13, %get3A_16, %dot_general3A {dimension_numbers = #tpu.dot_dimension_numbers<[1], [1], [0], [0], [0, 0, 1, 0], [], []>, transpose_lhs_hint = false} : vector<10000x128xf32>, vector<128x128xf32>, vector<10000x128xf32> -> vector<10000x128xf32>
    %get3A_18 = arith.constant 0 : index
    %get3A_19 = arith.constant 0 : index
    %get3A_20 = vector.load %arg0[%get3A_18, %get3A_19] : memref<10000x128xf32, #tpu.memory_space<vmem>>, vector<10000x128xf32>
    %get3A_21 = arith.constant 0 : index
    %get3A_22 = arith.constant 0 : index
    %get3A_23 = vector.load %arg4[%get3A_21, %get3A_22] : memref<128x128xf32, #tpu.memory_space<vmem>>, vector<128x128xf32>
    %dot_general3A_24 = arith.constant dense<0.000000e+00> : vector<10000x128xf32>
    %dot_general3A_25 = tpu.matmul %get3A_20, %get3A_23, %dot_general3A_24 {dimension_numbers = #tpu.dot_dimension_numbers<[1], [1], [0], [0], [0, 0, 1, 0], [], []>, transpose_lhs_hint = false} : vector<10000x128xf32>, vector<128x128xf32>, vector<10000x128xf32> -> vector<10000x128xf32>
    %add3A_26 = arith.addf %dot_general3A_17, %dot_general3A_25 : vector<10000x128xf32>
    %get3A_27 = arith.constant 0 : index
    %get3A_28 = arith.constant 0 : index
    %get3A_29 = vector.load %arg5[%get3A_27, %get3A_28] : memref<1x128xf32, #tpu.memory_space<vmem>>, vector<1x128xf32>
    %add3A_30 = vector.broadcast %get3A_29 : vector<1x128xf32> to vector<10000x128xf32>
    %add3A_31 = arith.addf %add3A_26, %add3A_30 : vector<10000x128xf32>
    %mul3A = arith.mulf %add3A_31, %add3A_31 : vector<10000x128xf32>
    %reduce_sum3A = arith.constant dense<0.000000e+00> : vector<10000xf32>
    %reduce_sum3A_32 = vector.multi_reduction <add>, %mul3A, %reduce_sum3A [1] : vector<10000x128xf32> to vector<10000xf32>
    %broadcast_in_dim3A = vector.shape_cast %reduce_sum3A_32 : vector<10000xf32> to vector<10000x1xf32>
    %sqrt3A = math.sqrt %broadcast_in_dim3A : vector<10000x1xf32>
    %max3A_33 = arith.constant 9.99999996E-13 : f32
    %max3A_34 = vector.broadcast %max3A_33 : f32 to vector<10000x1xf32>
    %max3A_35 = arith.maximumf %sqrt3A, %max3A_34 : vector<10000x1xf32>
    %div3A_36 = vector.broadcast %max3A_35 : vector<10000x1xf32> to vector<10000x128xf32>
    %div3A_37 = arith.divf %add3A_31, %div3A_36 : vector<10000x128xf32>
    %max3A_38 = arith.constant 0.000000e+00 : f32
    %max3A_39 = vector.broadcast %max3A_38 : f32 to vector<10000x128xf32>
    %max3A_40 = arith.maximumf %div3A_37, %max3A_39 : vector<10000x128xf32>
    %reduce_sum3A_41 = arith.constant dense<0.000000e+00> : vector<128xf32>
    %reduce_sum3A_42 = vector.multi_reduction <add>, %max3A_40, %reduce_sum3A_41 [0] : vector<10000x128xf32> to vector<128xf32>
    %broadcast_in_dim3A_43 = vector.shape_cast %reduce_sum3A_42 : vector<128xf32> to vector<1x128xf32>
    %div3A_44 = arith.constant 1.000000e+04 : f32
    %div3A_45 = vector.broadcast %div3A_44 : f32 to vector<1x128xf32>
    %div3A_46 = arith.divf %broadcast_in_dim3A_43, %div3A_45 : vector<1x128xf32>
    %sub3A = vector.broadcast %div3A_46 : vector<1x128xf32> to vector<10000x128xf32>
    %sub3A_47 = arith.subf %max3A_40, %sub3A : vector<10000x128xf32>
    %integer_pow3A = arith.mulf %sub3A_47, %sub3A_47 : vector<10000x128xf32>
    %reduce_sum3A_48 = arith.constant dense<0.000000e+00> : vector<128xf32>
    %reduce_sum3A_49 = vector.multi_reduction <add>, %integer_pow3A, %reduce_sum3A_48 [0] : vector<10000x128xf32> to vector<128xf32>
    %broadcast_in_dim3A_50 = vector.shape_cast %reduce_sum3A_49 : vector<128xf32> to vector<1x128xf32>
    %div3A_51 = arith.constant 1.000000e+04 : f32
    %div3A_52 = vector.broadcast %div3A_51 : f32 to vector<1x128xf32>
    %div3A_53 = arith.divf %broadcast_in_dim3A_50, %div3A_52 : vector<1x128xf32>
    %sub3A_54 = vector.broadcast %div3A_46 : vector<1x128xf32> to vector<10000x128xf32>
    %sub3A_55 = arith.subf %max3A_40, %sub3A_54 : vector<10000x128xf32>
    %add3A_56 = arith.constant 9.99999974E-6 : f32
    %add3A_57 = vector.broadcast %add3A_56 : f32 to vector<1x128xf32>
    %add3A_58 = arith.addf %div3A_53, %add3A_57 : vector<1x128xf32>
    %rsqrt3A = math.rsqrt %add3A_58 : vector<1x128xf32>
    %mul3A_59 = vector.broadcast %rsqrt3A : vector<1x128xf32> to vector<10000x128xf32>
    %mul3A_60 = arith.mulf %sub3A_55, %mul3A_59 : vector<10000x128xf32>
    %get3A_61 = arith.constant 0 : index
    %get3A_62 = arith.constant 0 : index
    %get3A_63 = vector.load %arg6[%get3A_61, %get3A_62] : memref<1x128xf32, #tpu.memory_space<vmem>>, vector<1x128xf32>
    %mul3A_64 = vector.broadcast %get3A_63 : vector<1x128xf32> to vector<10000x128xf32>
    %mul3A_65 = arith.mulf %mul3A_60, %mul3A_64 : vector<10000x128xf32>
    %get3A_66 = arith.constant 0 : index
    %get3A_67 = arith.constant 0 : index
    %get3A_68 = vector.load %arg7[%get3A_66, %get3A_67] : memref<1x128xf32, #tpu.memory_space<vmem>>, vector<1x128xf32>
    %add3A_69 = vector.broadcast %get3A_68 : vector<1x128xf32> to vector<10000x128xf32>
    %add3A_70 = arith.addf %mul3A_65, %add3A_69 : vector<10000x128xf32>
    %swap3A = arith.constant 0 : index
    %swap3A_71 = arith.constant 0 : index
    %swap3A_72 = vector.load %arg8[%swap3A, %swap3A_71] : memref<10000x128xf32, #tpu.memory_space<vmem>>, vector<10000x128xf32>
    tpu.vector_store %arg8[%swap3A, %swap3A_71], %add3A_70 {strides = array<i32>} : memref<10000x128xf32, #tpu.memory_space<vmem>>, vector<10000x128xf32>,
    return
  }
}

</mosaic_0001>

<sc_bundles>
// kernel: kernel.4.cloned.1.call-start
scs
__scs_entry_jumppad:
0x0: {  	(pc) =	sbr.rel $0x88, $3  }
0x1: {  	(tag) =	ssettag $0x0;
	lr =	simm.s32 $0x1  }
0x2: {  	[smem:$0x3F9A] =	sst lr;
	_ =	strace $0xD0000000  }
0x3: {  	_ = 	snop  }
0x4: {  	_ = 	snop  }
0x5: {  	_ = 	snop  }
0x6: {  	_ = 	snop  }
0x7: {  	_ = 	snop  }
__scs_overlays_trampoline_lowered:
0x8: {  	[smem:$0x3FA9] =	sst s0  }
0x9: {  	[smem:$0x3FAA] =	sst s1  }
0xa: {  	[smem:$0x3FAB] =	sst s2  }
0xb: {  	[smem:$0x3FAC] =	sst s3  }
0xc: {  	[smem:$0x3FAD] =	sst s4  }
0xd: {  	[smem:$0x3FAE] =	sst s5  }
0xe: {  	[smem:$0x3FAF] =	sst s6  }
0xf: {  	[smem:$0x3FB0] =	sst s7  }
0x10: {  	[smem:$0x3FB1] =	sst s8  }
0x11: {  	[smem:$0x3FB2] =	sst s9;
	s0 =	simm.s32 @!p0 $0x0  }
0x12: {  	s1 =	sld [smem:$0x3F98];
	s0 =	simm.s32 @p0 $0x1  }
0x13: {  	[smem:$0x3FB3] =	sst s0;
	s0 =	simm.s32 @!p1 $0x0  }
0x14: {  	s2 =	sld [smem:$0x3F97];
	s0 =	simm.s32 @p1 $0x1  }
0x15: {  	[smem:$0x3FB4] =	sst s0;
	s0 =	simm.s32 @!p2 $0x0  }
0x16: {  	s3 =	sld [smem:$0x3FDB];
	s0 =	simm.s32 @p2 $0x1  }
0x17: {  	s4 =	simm.s32 $0x1BF5;
	[smem:$0x3FB6] =	sst s0  }
0x18: {  	s0 =	sld [smem:$0x3F99];
	_ =	swait.ge [sflag:s4], $0x0  }
0x19: {  	s7 =	sld [smem:$0x3F9A]  }
0x1a: {  	s8 =	sadd.s32 $0xFFFFE003, lr  }
0x1b: {  	s9 =	sadd.s32 $0xFFFFFEF7, lr;
	s5 =	simm.s32 $0xFFFFFFFF;
	p2 =	slt.u32 s8, $0xFFFFF086  }
0x1c: {  	p1 =	slt.u32 s9, $0xF7A;
	s5 =	simm.s32 @!p2 $0x0  }
0x1d: {  	s5 =	simm.s32 @p1 $0x1;
	p0 =	seq.s32 s7, s2  }
0x1e: {  	s7 =	smul.u32 @!p0 $0xF7A, s2;
	p2 =	seq.s32 @!p0 s5, $0x0  }
0x1f: {  	s9 =	smul.u32 $0xF7A, s1;
	s8 =	simm.s32 @!p0 $0x1BF5;
	p2 =	por !p2, p0  }
0x20: {  	[sflag:s8] =	ssyncset.s32 @!p0 $0xFFFFF086;
	s6 =	sadd.s32 @!p0 s3, s7;
	s7 =	simm.s32 @!p0 $0x108  }
0x21: {  	s3 =	sadd.s32 s3, s9;
	s6 =	sadd.s32 @!p0 $0x88, s6;
	s7 =	simm.s32 @p2 $0x1082  }
0x22: {  	[simem:s7], [sflag:s8] =	dma.local @!p0 [hbm:s6], $0xF7A  }
0x23: {  	s9 =	sor.u32 $0xD0000000, s2;
	s6 =	simm.s32 $0x108;
	_ =	swait.ge @!p0 [sflag:s8], $0x0  }
0x24: {  	s3 =	sadd.s32 $0x88, s3;
	s6 =	simm.s32 @!p1 $0x1082;
	[sflag:s4] =	ssyncset.s32 $0xFFFFF086  }
0x25: {  	[simem:s6], [sflag:s4] =	dma.local [hbm:s3], $0xF7A  }
0x26: {  	[smem:$0x3F9A] =	sst s1;
	(tag) =	ssettag s2;
	_ =	strace s9  }
0x27: {  	s1 =	sld [smem:$0x3FAA]  }
0x28: {  	s2 =	sld [smem:$0x3FAB]  }
0x29: {  	s4 =	sld [smem:$0x3FAD]  }
0x2a: {  	p0 =	seq.s32 s5, $0x0;
	s5 =	sld [smem:$0x3FAE]  }
0x2b: {  	s6 =	sld [smem:$0x3FAF]  }
0x2c: {  	s7 =	sld [smem:$0x3FB0]  }
0x2d: {  	s3 =	simm.s32 $0x108;
	s8 =	sld [smem:$0x3FB1]  }
0x2e: {  	s3 =	simm.s32 @!p0 $0x1082;
	s9 =	sld [smem:$0x3FB2]  }
0x2f: {  	lr =	sadd.s32 s0, s3;
	s0 =	sld [smem:$0x3FA9]  }
0x30: {  	s3 =	sld [smem:$0x3FAC]  }
0x31: {  	[smem:$0x3FB5] =	sst s10  }
0x32: {  	s10 =	sld [smem:$0x3FB3];
	_ =	sdelay $0x3  }
0x33: {  	p0 =	seq.s32 s10, $0x1;
	s10 =	sld [smem:$0x3FB5];
	_ =	sdelay $0x3  }
0x34: {  	[smem:$0x3FB5] =	sst s10  }
0x35: {  	s10 =	sld [smem:$0x3FB4];
	_ =	sdelay $0x3  }
0x36: {  	p1 =	seq.s32 s10, $0x1;
	s10 =	sld [smem:$0x3FB5];
	_ =	sdelay $0x3  }
0x37: {  	[smem:$0x3FB5] =	sst s10  }
0x38: {  	s10 =	sld [smem:$0x3FB6]  }
0x39: {  	_ = 	snop;
	(pc) =	sbr.ind lr, $3  }
0x3a: {  	_ = 	snop  }
0x3b: {  	_ = 	snop  }
0x3c: {  	p2 =	seq.s32 s10, $0x1;
	s10 =	sld [smem:$0x3FB5]  }
0x3d: {  	_ =	shalt  }
0x3e: {  	_ =	shalt  }
0x3f: {  	_ =	shalt  }
0x40: {  	_ =	shalt  }
0x41: {  	_ =	shalt  }
0x42: {  	_ =	shalt  }
0x43: {  	_ =	shalt  }
0x44: {  	_ =	shalt  }
0x45: {  	_ =	shalt  }
0x46: {  	_ =	shalt  }
0x47: {  	_ =	shalt  }
0x48: {  	_ =	shalt  }
0x49: {  	_ =	shalt  }
0x4a: {  	_ =	shalt  }
0x4b: {  	_ =	shalt  }
0x4c: {  	_ =	shalt  }
0x4d: {  	_ =	shalt  }
0x4e: {  	_ =	shalt  }
0x4f: {  	_ =	shalt  }
0x50: {  	_ =	shalt  }
0x51: {  	_ =	shalt  }
0x52: {  	_ =	shalt  }
0x53: {  	_ =	shalt  }
0x54: {  	_ =	shalt  }
0x55: {  	_ =	shalt  }
0x56: {  	_ =	shalt  }
0x57: {  	_ =	shalt  }
0x58: {  	_ =	shalt  }
0x59: {  	_ =	shalt  }
0x5a: {  	_ =	shalt  }
0x5b: {  	_ =	shalt  }
0x5c: {  	_ =	shalt  }
0x5d: {  	_ =	shalt  }
0x5e: {  	_ =	shalt  }
0x5f: {  	_ =	shalt  }
0x60: {  	_ =	shalt  }
0x61: {  	_ =	shalt  }
0x62: {  	_ =	shalt  }
0x63: {  	_ =	shalt  }
0x64: {  	_ =	shalt  }
0x65: {  	_ =	shalt  }
0x66: {  	_ =	shalt  }
0x67: {  	_ =	shalt  }
0x68: {  	_ =	shalt  }
0x69: {  	_ =	shalt  }
0x6a: {  	_ =	shalt  }
0x6b: {  	_ =	shalt  }
0x6c: {  	_ =	shalt  }
0x6d: {  	_ =	shalt  }
0x6e: {  	_ =	shalt  }
0x6f: {  	_ =	shalt  }
0x70: {  	_ =	shalt  }
0x71: {  	_ =	shalt  }
0x72: {  	_ =	shalt  }
0x73: {  	_ =	shalt  }
0x74: {  	_ =	shalt  }
0x75: {  	_ =	shalt  }
0x76: {  	_ =	shalt  }
0x77: {  	_ =	shalt  }
0x78: {  	_ =	shalt  }
0x79: {  	_ =	shalt  }
0x7a: {  	_ =	shalt  }
0x7b: {  	_ =	shalt  }
0x7c: {  	_ =	shalt  }
0x7d: {  	_ =	shalt  }
0x7e: {  	_ =	shalt  }
0x7f: {  	_ =	shalt  }
0x80: {  	_ =	shalt  }
0x81: {  	_ =	shalt  }
0x82: {  	_ =	shalt  }
0x83: {  	_ =	shalt  }
0x84: {  	_ =	shalt  }
0x85: {  	_ =	shalt  }
0x86: {  	_ =	shalt  }
0x87: {  	_ =	shalt  }
.Lfunc_end0:
.L_simem_size_0:
called_computation_lowered:
.L_overlay_start_0:
0x88: {  	s2 =	sld [smem:$0x3FD9]  }
0x89: {  	s3 =	sld [smem:$0x3FFE];
	_ =	sdelay $0x1  }
0x8a: {  	s1 =	srdreg.scid  }
0x8b: {  	s0 =	sand.u32 $0x1, s1  }
0x8c: {  	s17 =	sshll.u32 s0, $0xA;
	s2 =	sadd.s32 s3, s2  }
0x8d: {  	s2 =	sadd.s32 s2, s17  }
0x8e: {  	[smem:$0x3FC1] =	sst s2  }
0x8f: {  	_ = 	snop  }
0x90: {  	s2 =	sld [smem:$0x3FC9]  }
0x91: {  	s18 =	sld [smem:$0x3FD0];
	(tm) =	ssettm $0x1  }
0x92: {  	s4 =	sld [smem:$0x3FFB];
	_ =	sdelay $0x3  }
0x93: {  	_ =	strace s4  }
0x94: {  	s4 =	sld [smem:$0x3FFC];
	_ =	sdelay $0x3  }
0x95: {  	_ =	strace s4  }
0x96: {  	s4 =	sld [smem:$0x3FFD];
	_ =	sdelay $0x3  }
0x97: {  	_ =	strace s4  }
0x98: {  	_ =	strace $0x8FFFFFFF  }
0x99: {  	s19 =	sld [smem:$0x3FDB];
	_ =	sdelay $0x1  }
0x9a: {  	s5 =	simm.s32 $_scs_section_size  }
0x9b: {  	s6 =	simm.s32 $_size__tile_overlayer_lowered;
	s7 =	simm.s32 $_tile_overlayer_lowered  }
0x9c: {  	s22 =	simm.s32 $0x1BFF;
	s21 =	sshll.u32 s7, $0x1;
	s4 =	sadd.s32 s5, s19  }
0x9d: {  	s8 =	simm.s32 $0x0;
	s20 =	sshll.u32 s6, $0x1;
	s6 =	sadd.s32 s21, s4  }
0x9e: {  	[timem:s8], [sflag:s22] =	dma.local [hbm:s6], s20  }
0x9f: {  	_ =	swait.ge [sflag:s22], s20  }
0xa0: {  	s5 =	ssub.s32 $0x0, s20;
	[sflag:s22] =	ssyncset.done $0x0  }
0xa1: {  	[sflag:s22] =	ssyncadd.s32 s5;
	_ =	sdelay $0x1  }
0xa2: {  	s23 =	simm.s32 $0x1B8B  }
0xa3: {  	_ =	swait.ge [sflag:s23], $0x1  }
0xa4: {  	[sflag:s23] =	ssyncset.done $0x0  }
0xa5: {  	s25 =	simm.s32 $0x1B8E;
	s24 =	sld [smem:$0x3FFE];
	[sflag:s23] =	ssyncadd.s32 $0xFFFFFFFF  }
0xa6: {  	s26 =	simm.s32 $execute0_lowered;
	[smem:$0x3FD2] =	sst s25  }
0xa7: {  	s6 =	sshll.u32 s26, $0x1;
	_ =	strace $0x80000046;
	[dreg:$0x1] =	wrdreg $0xFFFFFFFF  }
0xa8: {  	s28 =	simm.s32 $_size_execute0_lowered;
	s4 =	sadd.s32 s4, s6;
	[dreg:$0x0] =	wrdreg $0x0  }
0xa9: {  	s6 =	sshll.u32 s28, $0x1;
	[dreg:$0x2] =	wrdreg s4  }
0xaa: {  	[dreg:$0x3] =	wrdreg s6  }
0xab: {  	[dreg:$0x4] =	wrdreg $0xC0  }
0xac: {  	_ =	task [dreg:s8], $0x5FFFF  }
0xad: {  	[dreg:$0x1] =	wrdreg $0xFFFFFFFF  }
0xae: {  	[dreg:$0x0] =	wrdreg $0x60  }
0xaf: {  	[dreg:$0x2] =	wrdreg s2  }
0xb0: {  	[dreg:$0x3] =	wrdreg s24  }
0xb1: {  	[dreg:$0x4] =	wrdreg s18  }
0xb2: {  	[dreg:$0x5] =	wrdreg $0x0  }
0xb3: {  	[dreg:$0x6] =	wrdreg $0xA0000  }
0xb4: {  	[dreg:$0x7] =	wrdreg $0x9  }
0xb5: {  	_ =	task.clear_ibuf [dreg:s8], $0x8FFFF;
	_ =	strace $0x90000046  }
0xb6: {  	s29 =	simm.s32 $0x9;
	_ =	strace $0x80000048  }
0xb7: {  	_ =	swait.ge [sflag:s29], $0x1  }
0xb8: {  	[sflag:s29] =	ssyncadd.s32 $0xFFFFFFFF  }
0xb9: {  	_ =	strace $0x90000048  }
0xba: {  	_ =	sfence  }
0xbb: {  	s30 =	sld [smem:$0x0];
	_ =	sdelay $0x2  }
0xbc: {  	s31 =	sshll.u32 s1, $0xD;
	s1 =	sshrl.u32 s1, $0x2  }
0xbd: {  	s3 =	sand.u32 $0x4000, s31;
	s1 =	sadd.s32 s1, s30  }
0xbe: {  	s0 =	sor.u32 s3, s0;
	s1 =	sshll.u32 s1, $0x11  }
0xbf: {  	s0 =	sor.u32 s1, s0  }
0xc0: {  	s0 =	sadd.s32 $0x8F2B, s0  }
0xc1: {  	[sflag:s0] =	ssyncadd.remote.s32 $0x1  }
0xc2: {  	_ =	sfence.sel $0xFFFF  }
0xc3: {  	[dreg:$0x0] =	wrdreg $0xFFFFFFFF;
	(pc) =	sbr.abs _section_cstart, $3  }
0xc4: {  	[dreg:$0x1] =	wrdreg $0xFFFFFFFF  }
0xc5: {  	_ =	task.clear_ibuf [dreg:s8], $0x2FFFF;
	_ =	strace $0x9FFFFFFF  }
0xc6: {  	(tm) =	ssettm $0x7FFFFFFF  }
0xc7: {  	_ =	shalt  }
tec
execute0_lowered:
.L_overlay_start_1:
0x0: {  	(tag) =	ssettag $0x1  }
0x1: {  	s1 =	rddreg [dreg:$0x0]  }
0x2: {  	s0 =	rddreg [dreg:$0x1]  }
0x3: {  	s2 =	rddreg [dreg:$0x2]  }
0x4: {  	s3 =	rddreg [dreg:$0x3];
	s14 =	stileid.u32  }
0x5: {  	s4 =	rddreg [dreg:$0x4];
	s6 =	smul.u32 $0x9C4, s14  }
0x6: {  	s5 =	srdreg.scid;
	s8 =	smul.u32 $0x280, s14  }
0x7: {  	s9 =	simm.s32 $0x0;
	s29 =	simm.s32 $0x50;
	s13 =	smul.u32 $0x28000, s14  }
0x8: {  	s30 =	simm.s32 $0x18C40;
	s7 =	sand.u32 $0x1, s5;
	s25 =	smul.u32 $0xA000, s14  }
0x9: {  	s31 =	simm.s32 $0x1DC40;
	[smem:$0x7FF] =	sst s9;
	s24 =	smul.u32 $0x2800, s7  }
0xa: {  	_ =	strace $0x80000047;
	s10 =	ssub.s32 $0x2, s7;
	p0 =	sne.s32 s7, $0x0  }
0xb: {  	s6 =	sadd.s32 s6, s0;
	s12 =	sshrl.u32 s10, $0x1;
	s28 =	sshrl.u32 s13, $0x2  }
0xc: {  	s13 =	sadd.s32 $0x80, s8;
	s16 =	sadd.s32 $0x100, s8;
	s18 =	sadd.s32 $0x180, s8  }
0xd: {  	s9 =	sadd.s32 s8, s24;
	s10 =	ssub.s32 s10, s12;
	s26 =	sadd.s32 $0xB200, s6  }
0xe: {  	s6 =	sadd.s32 $0x1400, s6;
	s22 =	sadd.s32 s28, s3;
	s12 =	sshrl.u32 s25, $0x2  }
0xf: {  	s14 =	sshll.u32 s13, $0x6;
	s17 =	sshll.u32 s16, $0x6;
	s20 =	sshll.u32 s18, $0x6  }
0x10: {  	s21 =	sshll.u32 s18, $0x4;
	s8 =	sadd.s32 $0x200, s8;
	[dreg:$0x6] =	wrdreg s26  }
0x11: {  	s11 =	sshll.u32 s9, $0x3;
	[dreg:$0x7] =	wrdreg s6;
	s6 =	sadd.s32 s12, s4  }
0x12: {  	s12 =	sshll.u32 s13, $0x4;
	s19 =	sadd.s32 s17, s3;
	s23 =	sshll.u32 s8, $0x6  }
0x13: {  	s8 =	sshll.u32 s8, $0x4;
	s25 =	sshll.u32 s9, $0x1;
	s28 =	smax.u32 s10, $0x1  }
0x14: {  	s9 =	simm.s32 $0x1F040;
	s13 =	simm.s32 $0xC;
	s17 =	simm.s32 $0xE  }
0x15: {  	s0 =	sadd.s32 s11, s0;
	[dreg:$0x8] =	wrdreg s6;
	s6 =	sadd.s32 s14, s3  }
0x16: {  	s15 =	sadd.s32 s12, s4;
	[dreg:$0xb] =	wrdreg s19;
	s24 =	sadd.s32 s8, s4  }
0x17: {  	s26 =	sadd.s32 s2, s25;
	[dreg:$0x13] =	wrdreg s28;
	s2 =	simm.s32 $0x1B440  }
0x18: {  	s25 =	simm.s32 $0x1C840;
	s8 =	simm.s32 $0x2;
	[dreg:$0x9] =	wrdreg s6  }
0x19: {  	s12 =	simm.s32 $0x7;
	s14 =	simm.s32 $0x3;
	[dreg:$0xa] =	wrdreg s15  }
0x1a: {  	s19 =	simm.s32 $0x0;
	s6 =	sshll.u32 s16, $0x4;
	[dreg:$0x10] =	wrdreg s24  }
0x1b: {  	s0 =	sadd.s32 $0x15000, s0;
	[dreg:$0x12] =	wrdreg s26;
	s24 =	simm.s32 $0x10  }
.Ltmp0:
0x1c: {  	s6 =	sadd.s32 s6, s4;
	[dreg:$0x11] =	wrdreg s0;
	(pc) =	sbr.rel .LBB2_1-.Ltmp0, $4  }
0x1d: {  	s15 =	simm.s32 $0x4;
	[dreg:$0xc] =	wrdreg s6;
	s6 =	sadd.s32 s20, s3  }
0x1e: {  	s16 =	simm.s32 $0x9;
	[dreg:$0xd] =	wrdreg s6;
	s6 =	sadd.s32 s21, s4  }
0x1f: {  	s0 =	simm.s32 $0x1A040;
	[dreg:$0xe] =	wrdreg s6;
	s6 =	sadd.s32 s23, s3  }
0x20: {  	v1 =	vimm.f32 $0.0e+00;
	v2 =	vimm.f32 $1.000000000e+00;
	v0 =	vmov s7;
	s23 =	simm.s32 $0x5;
	[dreg:$0xf] =	wrdreg s6;
	s6 =	simm.s32 $0x1  }
.LBB2_21:
0x21: {  	s10 =	simm.s32 $0x6  }
0x22: {  	_ =	swait.ge [sflag:s10], $0x1400  }
0x23: {  	[sflag:s10] =	ssyncset.done $0x0  }
0x24: {  	[sflag:s10] =	ssyncadd.s32 $0xFFFFEC00;
	s10 =	simm.s32 @p0 $0xB  }
0x25: {  	_ =	swait.ge @p0 [sflag:s10], $0x500  }
0x26: {  	[sflag:s10] =	ssyncset.done @p0 $0x0  }
0x27: {  	[sflag:s10] =	ssyncadd.s32 @p0 $0xFFFFFB00;
	s10 =	simm.s32 @p0 $0x7  }
0x28: {  	_ =	swait.ge @p0 [sflag:s10], $0x1400  }
0x29: {  	[sflag:s10] =	ssyncset.done @p0 $0x0  }
0x2a: {  	[sflag:s10] =	ssyncadd.s32 @p0 $0xFFFFEC00;
	s10 =	simm.s32 @p0 $0x8  }
0x2b: {  	_ =	swait.ge @p0 [sflag:s10], $0x1400  }
0x2c: {  	[sflag:s10] =	ssyncset.done @p0 $0x0  }
0x2d: {  	[sflag:s10] =	ssyncadd.s32 @p0 $0xFFFFEC00;
	s10 =	simm.s32 @p0 $0xD  }
0x2e: {  	_ =	swait.ge @p0 [sflag:s10], $0x500  }
0x2f: {  	[sflag:s10] =	ssyncset.done @p0 $0x0  }
0x30: {  	[sflag:s10] =	ssyncadd.s32 @p0 $0xFFFFFB00;
	s10 =	simm.s32 @p0 $0x9  }
0x31: {  	_ =	swait.ge @p0 [sflag:s10], $0x1400  }
0x32: {  	[sflag:s10] =	ssyncset.done @p0 $0x0  }
0x33: {  	[sflag:s10] =	ssyncadd.s32 @p0 $0xFFFFEC00;
	s10 =	simm.s32 @p0 $0xA  }
0x34: {  	_ =	swait.ge @p0 [sflag:s10], $0x1400  }
0x35: {  	[sflag:s10] =	ssyncset.done @p0 $0x0  }
0x36: {  	[sflag:s10] =	ssyncadd.s32 @p0 $0xFFFFEC00;
	s10 =	simm.s32 @p0 $0xF  }
0x37: {  	_ =	swait.ge @p0 [sflag:s10], $0x500  }
0x38: {  	[sflag:s10] =	ssyncset.done @p0 $0x0  }
0x39: {  	[sflag:s10] =	ssyncadd.s32 @p0 $0xFFFFFB00;
	s10 =	simm.s32 @!p0 $0x7  }
0x3a: {  	_ =	swait.ge @!p0 [sflag:s10], $0x1400  }
0x3b: {  	[sflag:s10] =	ssyncset.done @!p0 $0x0  }
0x3c: {  	[sflag:s10] =	ssyncadd.s32 @!p0 $0xFFFFEC00;
	s10 =	simm.s32 @!p0 $0xC  }
0x3d: {  	_ =	swait.ge @!p0 [sflag:s10], $0x500  }
0x3e: {  	[sflag:s10] =	ssyncset.done @!p0 $0x0  }
0x3f: {  	[sflag:s10] =	ssyncadd.s32 @!p0 $0xFFFFFB00;
	s10 =	simm.s32 @!p0 $0x8  }
0x40: {  	_ =	swait.ge @!p0 [sflag:s10], $0x1400  }
0x41: {  	[sflag:s10] =	ssyncset.done @!p0 $0x0  }
0x42: {  	[sflag:s10] =	ssyncadd.s32 @!p0 $0xFFFFEC00;
	s10 =	simm.s32 @!p0 $0x9  }
0x43: {  	_ =	swait.ge @!p0 [sflag:s10], $0x1400  }
0x44: {  	[sflag:s10] =	ssyncset.done @!p0 $0x0  }
0x45: {  	[sflag:s10] =	ssyncadd.s32 @!p0 $0xFFFFEC00;
	s10 =	simm.s32 @!p0 $0xE  }
0x46: {  	_ =	swait.ge @!p0 [sflag:s10], $0x500  }
0x47: {  	[sflag:s10] =	ssyncset.done @!p0 $0x0  }
0x48: {  	[sflag:s10] =	ssyncadd.s32 @!p0 $0xFFFFFB00;
	s10 =	simm.s32 @!p0 $0xA  }
0x49: {  	_ =	swait.ge @!p0 [sflag:s10], $0x1400  }
0x4a: {  	[sflag:s10] =	ssyncset.done @!p0 $0x0  }
0x4b: {  	s20 =	stileid.u32;
	[sflag:s10] =	ssyncadd.s32 @!p0 $0xFFFFEC00  }
0x4c: {  	s10 =	sshll.u32 s20, $0x6;
	[bflag:$0x0] =	sbarrier.arrive $0xFFFF  }
0x4d: {  	s11 =	sshrl.u32 s28, $0x3;
	s10 =	sor.u32 $0x1C10, s10;
	s18 =	rddreg [dreg:$0x11]  }
0x4e: {  	[hbm:s18], [sflag:s10] =	dma.local [spmem:s11], $0x1400  }
0x4f: {  	_ =	swait.ge [sflag:s24], $0x1400  }
0x50: {  	[sflag:s24] =	ssyncset.done $0x0;
	s21 =	rddreg [dreg:$0x8]  }
0x51: {  	s26 =	rddreg [dreg:$0x12];
	[sflag:s24] =	ssyncadd.s32 $0xFFFFEC00;
	s11 =	sshrl.u32 s21, $0x3  }
0x52: {  	[hbm:s26], [sflag:s10] =	dma.local [spmem:s11], $0x500  }
0x53: {  	_ =	swait.ge [sflag:s24], $0x500  }
0x54: {  	s22 =	smov.u32 s28;
	s19 =	sadd.s32 $0x1, s19;
	s28 =	rddreg [dreg:$0x13]  }
0x55: {  	p1 =	sne.s32 s19, s28  }
.Ltmp1:
0x56: {  	_ = 	snop;
	(pc) =	sbr.rel @!p1 .LBB2_22-.Ltmp1, $3  }
0x57: {  	_ =	sdelay $0x1  }
0x58: {  	[sflag:s24] =	ssyncset.done $0x0  }
0x59: {  	[sflag:s24] =	ssyncadd.s32 $0xFFFFFB00  }
.LBB2_1:
0x5a: {  	s10 =	simm.s32 $0x0;
	s11 =	rddreg [dreg:$0x6];
	s18 =	simm.s32 $0xF000  }
0x5b: {  	[tilespmem:s18], [sflag:$0x10] =	stream.linear.gather [hbm4b:s11+s10], $0x4E20, $0x38;
	[tilespmem:$0x1F540] =	vst v63  }
0x5c: {  	_ =	swait.ge [sflag:s24], $0x4E20  }
0x5d: {  	[sflag:s24] =	ssyncset.done $0x0  }
0x5e: {  	s28 =	simm.s32 $0x13E20;
	s26 =	rddreg [dreg:$0x7];
	[sflag:s24] =	ssyncadd.s32 $0xFFFFB1E0  }
0x5f: {  	[tilespmem:s28], [sflag:$0x10] =	stream.linear.gather [hbm4b:s26+s10], $0x4E20, $0x38;
	[tilespmem:$0x1F540] =	vst v63  }
0x60: {  	_ =	swait.ge [sflag:s24], $0x4E20  }
0x61: {  	[sflag:s24] =	ssyncset.done $0x0  }
0x62: {  	s20 =	simm.s32 $0x40;
	s18 =	simm.s32 $0x0;
	[sflag:s24] =	ssyncadd.s32 $0xFFFFB1E0  }
.LBB2_2:
0x63: {  	p1 =	sne.s32 s20, $0x13840;
	v3 =	vld [tilespmem:s18+$0xF000];
	_ =	sdelay $0x2  }
.Ltmp2:
0x64: {  	(pc) =	sbr.rel @p1 .LBB2_2-.Ltmp2, $4  }
0x65: {  	_ = 	snop  }
0x66: {  	v3 =	vshll.u32 v3, $0x1  }
0x67: {  	v3 =	vor.u32 v0, v3  }
0x68: {  	[tilespmem:s18+$0xF000] =	vst v3;
	s18 =	sshra.s32 s20, $0x2;
	s20 =	sadd.s32 $0x40, s20  }
0x69: {  	v3 =	vld [tilespmem:s18+$0xF000];
	_ =	sdelay $0x4  }
0x6a: {  	v3 =	vshll.u32 v3, $0x1  }
0x6b: {  	v3 =	vor.u32 v0, v3  }
0x6c: {  	[tilespmem:s18+$0xF000] =	vst v3;
	s18 =	simm.s32 $0xC820  }
0x6d: {  	[tilespmem:s18+$0x0] =	vst v1  }
0x6e: {  	[tilespmem:s18+$0xFFFFFFE0] =	vst v1  }
0x6f: {  	[tilespmem:s18+$0x10] =	vst v1  }
0x70: {  	s20 =	simm.s32 $0x40;
	s21 =	simm.s32 $0x0;
	[tilespmem:s18+$0xFFFFFFF0] =	vst v1  }
.LBB2_4:
0x71: {  	p1 =	sne.s32 s20, $0x1FC0  }
0x72: {  	[tilespmem:s21+$0xE800] =	vst v1;
	s18 =	sadd.s32 $0x40, s18;
	s10 =	smov.u32 s20;
	s20 =	sadd.s32 $0x40, s20  }
.Ltmp3:
0x73: {  	[tilespmem:s18+$0x0] =	vst v1;
	(pc) =	sbr.rel @p1 .LBB2_4-.Ltmp3, $4  }
0x74: {  	_ = 	snop  }
0x75: {  	[tilespmem:s18+$0xFFFFFFE0] =	vst v1  }
0x76: {  	[tilespmem:s18+$0x10] =	vst v1  }
0x77: {  	s21 =	sshra.s32 s10, $0x2;
	[tilespmem:s18+$0xFFFFFFF0] =	vst v1  }
0x78: {  	[tilespmem:s21+$0xE800] =	vst v1;
	s18 =	simm.s32 $0x40;
	s20 =	simm.s32 $0x0  }
.LBB2_6:
0x79: {  	p1 =	sne.s32 s18, $0x13C0;
	[tilespmem:s20+$0x1F040] =	vst v2;
	s10 =	smov.u32 s18;
	s18 =	sadd.s32 $0x40, s18  }
.Ltmp4:
0x7a: {  	(pc) =	sbr.rel @p1 .LBB2_6-.Ltmp4, $2  }
0x7b: {  	_ =	sdelay $0x2  }
0x7c: {  	s20 =	sshra.s32 s10, $0x2  }
0x7d: {  	[tilespmem:s20+$0x1F040] =	vst v2;
	s11 =	simm.s32 $0xC800  }
0x7e: {  	[spmem:s22] =	stream.linear.scatter [tilespmem:s11], [sflag:$0x10], $0x2000, $0x38;
	[tilespmem:$0x1F540] =	vst v63  }
0x7f: {  	_ =	swait.ge [sflag:s24], $0x2000  }
0x80: {  	[sflag:s24] =	ssyncset.done $0x0  }
0x81: {  	s18 =	simm.s32 $0xE800;
	s10 =	rddreg [dreg:$0x8];
	[sflag:s24] =	ssyncadd.s32 $0xFFFFE000  }
0x82: {  	[spmem:s10] =	stream.linear.scatter [tilespmem:s18], [sflag:$0x10], $0x800, $0x38;
	[tilespmem:$0x1F540] =	vst v63  }
0x83: {  	_ =	swait.ge [sflag:s24], $0x800  }
0x84: {  	[sflag:s24] =	ssyncset.done $0x0  }
0x85: {  	s21 =	rddreg [dreg:$0x9];
	[sflag:s24] =	ssyncadd.s32 $0xFFFFF800  }
0x86: {  	[spmem:s21] =	stream.linear.scatter [tilespmem:s11], [sflag:$0x10], $0x2000, $0x38;
	[tilespmem:$0x1F540] =	vst v63  }
0x87: {  	_ =	swait.ge [sflag:s24], $0x2000  }
0x88: {  	[sflag:s24] =	ssyncset.done $0x0  }
0x89: {  	s28 =	smov.u32 s22;
	s22 =	rddreg [dreg:$0xa];
	[sflag:s24] =	ssyncadd.s32 $0xFFFFE000  }
0x8a: {  	[spmem:s22] =	stream.linear.scatter [tilespmem:s18], [sflag:$0x10], $0x800, $0x38;
	[tilespmem:$0x1F540] =	vst v63  }
0x8b: {  	_ =	swait.ge [sflag:s24], $0x800  }
0x8c: {  	[sflag:s24] =	ssyncset.done $0x0  }
0x8d: {  	s26 =	rddreg [dreg:$0xb];
	[sflag:s24] =	ssyncadd.s32 $0xFFFFF800  }
0x8e: {  	[spmem:s26] =	stream.linear.scatter [tilespmem:s11], [sflag:$0x10], $0x2000, $0x38;
	[tilespmem:$0x1F540] =	vst v63  }
0x8f: {  	_ =	swait.ge [sflag:s24], $0x2000  }
0x90: {  	[sflag:s24] =	ssyncset.done $0x0  }
0x91: {  	s20 =	rddreg [dreg:$0xc];
	[sflag:s24] =	ssyncadd.s32 $0xFFFFE000  }
0x92: {  	[spmem:s20] =	stream.linear.scatter [tilespmem:s18], [sflag:$0x10], $0x800, $0x38;
	[tilespmem:$0x1F540] =	vst v63  }
0x93: {  	_ =	swait.ge [sflag:s24], $0x800  }
0x94: {  	[sflag:s24] =	ssyncset.done $0x0  }
0x95: {  	s21 =	rddreg [dreg:$0xd];
	[sflag:s24] =	ssyncadd.s32 $0xFFFFF800  }
0x96: {  	[spmem:s21] =	stream.linear.scatter [tilespmem:s11], [sflag:$0x10], $0x2000, $0x38;
	[tilespmem:$0x1F540] =	vst v63  }
0x97: {  	_ =	swait.ge [sflag:s24], $0x2000  }
0x98: {  	[sflag:s24] =	ssyncset.done $0x0  }
0x99: {  	s22 =	rddreg [dreg:$0xe];
	[sflag:s24] =	ssyncadd.s32 $0xFFFFE000  }
0x9a: {  	[spmem:s22] =	stream.linear.scatter [tilespmem:s18], [sflag:$0x10], $0x800, $0x38;
	[tilespmem:$0x1F540] =	vst v63  }
0x9b: {  	_ =	swait.ge [sflag:s24], $0x800  }
0x9c: {  	[sflag:s24] =	ssyncset.done $0x0  }
0x9d: {  	s26 =	rddreg [dreg:$0xf];
	[sflag:s24] =	ssyncadd.s32 $0xFFFFF800  }
0x9e: {  	[spmem:s26] =	stream.linear.scatter [tilespmem:s11], [sflag:$0x10], $0x2000, $0x38;
	[tilespmem:$0x1F540] =	vst v63  }
0x9f: {  	_ =	swait.ge [sflag:s24], $0x2000  }
0xa0: {  	[sflag:s24] =	ssyncset.done $0x0  }
0xa1: {  	s11 =	rddreg [dreg:$0x10];
	[sflag:s24] =	ssyncadd.s32 $0xFFFFE000  }
0xa2: {  	[spmem:s11] =	stream.linear.scatter [tilespmem:s18], [sflag:$0x10], $0x800, $0x38;
	[tilespmem:$0x1F540] =	vst v63  }
0xa3: {  	_ =	swait.ge [sflag:s24], $0x800  }
0xa4: {  	[sflag:s24] =	ssyncset.done $0x0  }
0xa5: {  	[sflag:s24] =	ssyncadd.s32 $0xFFFFF800  }
0xa6: {  	s20 =	simm.s32 $0xF000;
	[bflag:$0x0] =	sbarrier.arrive $0xFFFF  }
0xa7: {  	[tilespmem:s30], [sflag:$0x1] =	stream.indirect.gather [hbm4b:s1+s29], $0x40, s20, s29, $0xb8;
	[tilespmem:$0x1F540] =	vst v63  }
0xa8: {  	s21 =	simm.s32 $0xF050  }
0xa9: {  	[tilespmem:s0], [sflag:$0x2] =	stream.indirect.gather [hbm4b:s1+s29], $0x40, s21, s29, $0xb8;
	[tilespmem:$0x1F540] =	vst v63  }
.Ltmp5:
0xaa: {  	_ = 	snop;
	(pc) =	sbr.rel .LBB2_8-.Ltmp5, $4  }
0xab: {  	s22 =	simm.s32 $0xF0A0  }
0xac: {  	[tilespmem:s2], [sflag:$0x3] =	stream.indirect.gather [hbm4b:s1+s29], $0x40, s22, s29, $0xb8;
	[tilespmem:$0x1F540] =	vst v63  }
0xad: {  	s26 =	simm.s32 $0xF0F0;
	s20 =	simm.s32 $0x0;
	s21 =	simm.s32 $0x0  }
0xae: {  	[tilespmem:s25], [sflag:$0x4] =	stream.indirect.gather [hbm4b:s1+s29], $0x40, s26, s29, $0xb8;
	[tilespmem:$0x1F540] =	vst v63  }
.LBB2_19:
0xaf: {  	s10 =	sadd.s32 $0xF280, s22  }
0xb0: {  	[tilespmem:s25], [sflag:$0x4] =	stream.indirect.gather [hbm4b:s1+s29], $0x40, s10, s29, $0xb8;
	[tilespmem:$0x1F540] =	vst v63  }
.LBB2_20:
0xb1: {  	_ =	swait.ge [sflag:s23], $0x1400  }
0xb2: {  	[sflag:s23] =	ssyncset.done $0x0  }
0xb3: {  	s10 =	sadd.s32 $0x13F60, s22;
	[sflag:s23] =	ssyncadd.s32 $0xFFFFEC00  }
0xb4: {  	[spmem:s3] =	stream.indirect.scatter.add.f32 [tilespmem:s31], [sflag:$0xA], $0x40, s10, s29, $0xb8;
	[tilespmem:$0x1F540] =	vst v63  }
0xb5: {  	s11 =	simm.s32 @!p1 $0x50;
	s18 =	simm.s32 @!p1 $0x1F040;
	s21 =	sadd.s32 $0x640, s21  }
0xb6: {  	[spmem:s4] =	stream.indirect.scatter.add.f32 @!p1 [tilespmem:s18], [sflag:$0xF], $0x10, s10, s11, $0xb8;
	[tilespmem:$0x1F540] =	vst v63  }
0xb7: {  	p1 =	sne.s32 s21, $0x13880  }
.Ltmp6:
0xb8: {  	_ = 	snop;
	(pc) =	sbr.rel @!p1 .LBB2_21-.Ltmp6, $2  }
0xb9: {  	_ =	sdelay $0x2  }
0xba: {  	s20 =	sadd.s32 $0x5, s20  }
.LBB2_8:
0xbb: {  	p1 =	seq.s32 s21, $0x0  }
0xbc: {  	s10 =	sxor.u32 @!p1 s5, s20  }
0xbd: {  	s18 =	simm.s32 @!p1 $0xA;
	s10 =	sand.u32 @!p1 $0x1, s10  }
0xbe: {  	_ =	swait.ge @!p1 [sflag:s18], $0x1400;
	p2 =	seq.s32 @!p1 s10, $0x0  }
0xbf: {  	[sflag:s18] =	ssyncset.done @!p1 $0x0;
	p2 =	por p2, p1  }
0xc0: {  	[sflag:s18] =	ssyncadd.s32 @!p1 $0xFFFFEC00;
	s10 =	simm.s32 @!p2 $0xF  }
0xc1: {  	_ =	swait.ge @!p2 [sflag:s10], $0x500  }
0xc2: {  	s22 =	sshra.s32 s21, $0x2;
	[sflag:s10] =	ssyncset.done @!p2 $0x0  }
0xc3: {  	s18 =	sadd.s32 $0xF140, s22;
	[sflag:s10] =	ssyncadd.s32 @!p2 $0xFFFFFB00  }
0xc4: {  	[tilespmem:s31], [sflag:$0x5] =	stream.indirect.gather [hbm4b:s1+s29], $0x40, s18, s29, $0xb8;
	[tilespmem:$0x1F540] =	vst v63  }
0xc5: {  	_ =	swait.ge [sflag:s6], $0x1400  }
0xc6: {  	s18 =	sand.u32 $0x1, s20;
	[sflag:s6] =	ssyncset.done $0x0  }
0xc7: {  	s10 =	sadd.s32 $0x13E20, s22;
	p1 =	sne.s32 s18, s7;
	[sflag:s6] =	ssyncadd.s32 $0xFFFFEC00  }
0xc8: {  	[spmem:s3] =	stream.indirect.scatter.add.f32 [tilespmem:s30], [sflag:$0x6], $0x40, s10, s29, $0xb8;
	[tilespmem:$0x1F540] =	vst v63  }
0xc9: {  	p2 =	seq.s32 s21, $0x13240;
	s11 =	simm.s32 @!p1 $0x50;
	s26 =	simm.s32 @!p1 $0x1F040  }
0xca: {  	[spmem:s4] =	stream.indirect.scatter.add.f32 @!p1 [tilespmem:s26], [sflag:$0xB], $0x10, s10, s11, $0xb8;
	[tilespmem:$0x1F540] =	vst v63  }
0xcb: {  	s10 =	simm.s32 @!p2 $0x6  }
0xcc: {  	p3 =	sne.s32 @!p2 s18, s7;
	_ =	swait.ge @!p2 [sflag:s10], $0x1400  }
0xcd: {  	p3 =	por p3, p2;
	[sflag:s10] =	ssyncset.done @!p2 $0x0  }
0xce: {  	[sflag:s10] =	ssyncadd.s32 @!p2 $0xFFFFEC00;
	s10 =	simm.s32 @!p3 $0xB  }
0xcf: {  	_ =	swait.ge @!p3 [sflag:s10], $0x500  }
0xd0: {  	s18 =	sshra.s32 @!p2 s21, $0x2;
	s11 =	simm.s32 @!p2 $0x50;
	[sflag:s10] =	ssyncset.done @!p3 $0x0  }
0xd1: {  	s26 =	simm.s32 @!p2 $0x18C40;
	[sflag:s10] =	ssyncadd.s32 @!p3 $0xFFFFFB00;
	s10 =	sadd.s32 @!p2 $0xF190, s18  }
0xd2: {  	[tilespmem:s26], [sflag:$0x1] =	stream.indirect.gather @!p2 [hbm4b:s1+s11], $0x40, s10, s11, $0xb8;
	[tilespmem:$0x1F540] =	vst v63  }
0xd3: {  	s26 =	sadd.s32 $0x1, s20  }
0xd4: {  	s11 =	sand.u32 $0x1, s26  }
0xd5: {  	p4 =	sne.s32 s11, s7  }
.Ltmp7:
0xd6: {  	_ = 	snop;
	(pc) =	sbr.rel @p4 .LBB2_11-.Ltmp7, $4  }
0xd7: {  	_ =	swait.ge [sflag:s8], $0x1400  }
0xd8: {  	[sflag:s8] =	ssyncset.done $0x0  }
0xd9: {  	s10 =	sadd.s32 $0x13E70, s22;
	[sflag:s8] =	ssyncadd.s32 $0xFFFFEC00  }
0xda: {  	[spmem:s3] =	stream.indirect.scatter.add.f32 [tilespmem:s0], [sflag:$0x7], $0x40, s10, s29, $0xb8;
	[tilespmem:$0x1F540] =	vst v63  }
.Ltmp8:
0xdb: {  	(pc) =	sbr.rel @p2 .LBB2_14-.Ltmp8, $2  }
0xdc: {  	_ =	sdelay $0x2  }
0xdd: {  	[spmem:s4] =	stream.indirect.scatter.add.f32 [tilespmem:s9], [sflag:$0xC], $0x10, s10, s29, $0xb8;
	[tilespmem:$0x1F540] =	vst v63  }
0xde: {  	_ =	swait.ge [sflag:s12], $0x1400  }
.Ltmp9:
0xdf: {  	[sflag:s12] =	ssyncset.done $0x0;
	(pc) =	sbr.rel .LBB2_13-.Ltmp9, $4  }
0xe0: {  	[sflag:s12] =	ssyncadd.s32 $0xFFFFEC00  }
0xe1: {  	_ =	swait.ge [sflag:s13], $0x500  }
0xe2: {  	[sflag:s13] =	ssyncset.done $0x0  }
0xe3: {  	[sflag:s13] =	ssyncadd.s32 $0xFFFFFB00  }
.LBB2_11:
.Ltmp10:
0xe4: {  	(pc) =	sbr.rel @p2 .LBB2_14-.Ltmp10, $1  }
0xe5: {  	_ =	sdelay $0x3  }
0xe6: {  	_ =	swait.ge [sflag:s12], $0x1400  }
0xe7: {  	[sflag:s12] =	ssyncset.done $0x0  }
0xe8: {  	[sflag:s12] =	ssyncadd.s32 $0xFFFFEC00  }
.LBB2_13:
0xe9: {  	s10 =	sadd.s32 $0xF1E0, s22  }
0xea: {  	[tilespmem:s0], [sflag:$0x2] =	stream.indirect.gather [hbm4b:s1+s29], $0x40, s10, s29, $0xb8;
	[tilespmem:$0x1F540] =	vst v63  }
.LBB2_14:
0xeb: {  	_ =	swait.ge [sflag:s14], $0x1400  }
0xec: {  	[sflag:s14] =	ssyncset.done $0x0  }
0xed: {  	s10 =	sadd.s32 $0x13EC0, s22;
	[sflag:s14] =	ssyncadd.s32 $0xFFFFEC00  }
0xee: {  	[spmem:s3] =	stream.indirect.scatter.add.f32 [tilespmem:s2], [sflag:$0x8], $0x40, s10, s29, $0xb8;
	[tilespmem:$0x1F540] =	vst v63  }
0xef: {  	s11 =	simm.s32 @!p1 $0x50;
	s26 =	simm.s32 @!p1 $0x1F040  }
0xf0: {  	[spmem:s4] =	stream.indirect.scatter.add.f32 @!p1 [tilespmem:s26], [sflag:$0xD], $0x10, s10, s11, $0xb8;
	[tilespmem:$0x1F540] =	vst v63  }
0xf1: {  	s10 =	simm.s32 @!p2 $0x8  }
0xf2: {  	_ =	swait.ge @!p2 [sflag:s10], $0x1400  }
0xf3: {  	[sflag:s10] =	ssyncset.done @!p2 $0x0  }
0xf4: {  	[sflag:s10] =	ssyncadd.s32 @!p2 $0xFFFFEC00;
	s10 =	simm.s32 @!p3 $0xD  }
0xf5: {  	_ =	swait.ge @!p3 [sflag:s10], $0x500  }
0xf6: {  	s11 =	simm.s32 @!p2 $0x50;
	s26 =	sadd.s32 $0x3, s20;
	[sflag:s10] =	ssyncset.done @!p3 $0x0  }
0xf7: {  	[sflag:s10] =	ssyncadd.s32 @!p3 $0xFFFFFB00;
	s10 =	sadd.s32 @!p2 $0xF230, s18;
	s18 =	simm.s32 @!p2 $0x1B440  }
0xf8: {  	[tilespmem:s18], [sflag:$0x3] =	stream.indirect.gather @!p2 [hbm4b:s1+s11], $0x40, s10, s11, $0xb8;
	[tilespmem:$0x1F540] =	vst v63  }
0xf9: {  	s11 =	sand.u32 $0x1, s26  }
0xfa: {  	p3 =	sne.s32 s11, s7  }
.Ltmp11:
0xfb: {  	_ = 	snop;
	(pc) =	sbr.rel @p3 .LBB2_17-.Ltmp11, $4  }
0xfc: {  	_ =	swait.ge [sflag:s15], $0x1400  }
0xfd: {  	[sflag:s15] =	ssyncset.done $0x0  }
0xfe: {  	s10 =	sadd.s32 $0x13F10, s22;
	[sflag:s15] =	ssyncadd.s32 $0xFFFFEC00  }
0xff: {  	[spmem:s3] =	stream.indirect.scatter.add.f32 [tilespmem:s25], [sflag:$0x9], $0x40, s10, s29, $0xb8;
	[tilespmem:$0x1F540] =	vst v63  }
.Ltmp12:
0x100: {  	(pc) =	sbr.rel @p2 .LBB2_20-.Ltmp12, $2  }
0x101: {  	_ =	sdelay $0x2  }
0x102: {  	[spmem:s4] =	stream.indirect.scatter.add.f32 [tilespmem:s9], [sflag:$0xE], $0x10, s10, s29, $0xb8;
	[tilespmem:$0x1F540] =	vst v63  }
0x103: {  	_ =	swait.ge [sflag:s16], $0x1400  }
.Ltmp13:
0x104: {  	[sflag:s16] =	ssyncset.done $0x0;
	(pc) =	sbr.rel .LBB2_19-.Ltmp13, $4  }
0x105: {  	[sflag:s16] =	ssyncadd.s32 $0xFFFFEC00  }
0x106: {  	_ =	swait.ge [sflag:s17], $0x500  }
0x107: {  	[sflag:s17] =	ssyncset.done $0x0  }
0x108: {  	[sflag:s17] =	ssyncadd.s32 $0xFFFFFB00  }
.LBB2_17:
.Ltmp14:
0x109: {  	(pc) =	sbr.rel @p2 .LBB2_20-.Ltmp14, $1  }
0x10a: {  	_ =	sdelay $0x3  }
.Ltmp15:
0x10b: {  	(pc) =	sbr.rel .LBB2_19-.Ltmp15, $4  }
0x10c: {  	_ = 	snop  }
0x10d: {  	_ =	swait.ge [sflag:s16], $0x1400  }
0x10e: {  	[sflag:s16] =	ssyncset.done $0x0  }
0x10f: {  	[sflag:s16] =	ssyncadd.s32 $0xFFFFEC00  }
.LBB2_22:
0x110: {  	_ =	sfence.sel $0x180000  }
0x111: {  	[bflag:$0x0] =	sbarrier.arrive $0xFFFF  }
0x112: {  	_ =	strace $0x90000047  }
0x113: {  	s0 =	stileid.u32;
	[bflag:$0x2] =	sbarrier.arrive $0xFFFF  }
0x114: {  	p0 =	sne.s32 s0, $0x0;
	s0 =	rddreg [dreg:$0x5]  }
0x115: {  	s0 =	sadd.s32 @!p0 $0x100000, s0  }
0x116: {  	[sflag:s0] =	ssyncadd.tile.s32 @!p0 $0x1;
	_ =	shalt  }
.Lfunc_end2:
_tile_overlayer_lowered:
.L_overlay_start_2:
0x117: {  	(tag) =	ssettag $0x2  }
0x118: {  	s0 =	rddreg [dreg:$0x0];
	s2 =	stileid.u32  }
0x119: {  	s1 =	rddreg [dreg:$0x1];
	p0 =	sne.s32 s2, $0x0  }
0x11a: {  	s3 =	rddreg [dreg:$0x2];
	[bflag:$0x3] =	sbarrier.arrive $0xFFFF;
	s2 =	simm.s32 @!p0 $0x1C10  }
0x11b: {  	[timem:s3], [sflag:s2] =	dma.local @!p0 [hbm:s0], s1  }
0x11c: {  	s0 =	simm.s32 @!p0 $0x10  }
0x11d: {  	_ =	swait.ge @!p0 [sflag:s0], s1  }
0x11e: {  	s1 =	ssub.s32 @!p0 $0x0, s1;
	[sflag:s0] =	ssyncset.done @!p0 $0x0  }
0x11f: {  	[sflag:s0] =	ssyncadd.s32 @!p0 s1  }
0x120: {  	[bflag:$0x3] =	sbarrier.arrive $0xFFFF  }
0x121: {  	_ =	shalt  }

</sc_bundles>
